<compile_context>
chip_gen: v7x
topology: tpu7x:2x2x1
jax: 0.10.2.dev20260603
libtpu: 0.0.44.dev20260713+nightly
codegen_flags: <defaults>
</compile_context>

<pallas_src>
import jax
import jax.numpy as jnp
from jax import lax
from jax.experimental import pallas as pl
from jax.experimental.pallas import tpu as pltpu
from jax.experimental.pallas import tpu_sc as plsc

_N = 10000
_E = 320000
_D = 128
_H = 8
_C = 16
_NC = 2
_NS = 16
_NW = _NC * _NS
_PERW = _E // _NW
_EPT = _E // _NS
_CH = 80
_GCH = _PERW // _CH
_SCH = _EPT // _CH
_NPAD = 10240
_RPT = _NPAD // _NS
_ZCH = 64

_BN = 1000
_BE = 4000

_F32 = jnp.float32

_sc_mesh = plsc.VectorSubcoreMesh(
    core_axis_name="c", subcore_axis_name="s", num_cores=_NC, num_subcores=_NS)


def _head_indicator(rows, cols, row_div, col_div):
    r = lax.broadcasted_iota(jnp.int32, (rows, cols), 0) // row_div
    c = lax.broadcasted_iota(jnp.int32, (rows, cols), 1) // col_div
    return (r == c).astype(_F32)


def _proj_body(x_ref, wq_ref, bq_ref, wkv_ref, bkv_ref, ws_ref, bs_ref,
               qn_ref, kv_ref, sk_ref):
    xb = x_ref[...]
    qn_ref[...] = jnp.dot(xb, wq_ref[...], preferred_element_type=_F32) + bq_ref[...]
    kv_ref[...] = jnp.dot(xb, wkv_ref[...], preferred_element_type=_F32) + bkv_ref[...]
    sk_ref[...] = jnp.dot(xb, ws_ref[...], preferred_element_type=_F32) + bs_ref[...]


_proj = pl.pallas_call(
    _proj_body,
    grid=(_N // _BN,),
    in_specs=[
        pl.BlockSpec((_BN, _D), lambda i: (i, 0)),
        pl.BlockSpec((_D, _D), lambda i: (0, 0)),
        pl.BlockSpec((1, _D), lambda i: (0, 0)),
        pl.BlockSpec((_D, 2 * _D), lambda i: (0, 0)),
        pl.BlockSpec((1, 2 * _D), lambda i: (0, 0)),
        pl.BlockSpec((_D, _D), lambda i: (0, 0)),
        pl.BlockSpec((1, _D), lambda i: (0, 0)),
    ],
    out_specs=[
        pl.BlockSpec((_BN, _D), lambda i: (i, 0)),
        pl.BlockSpec((_BN, 2 * _D), lambda i: (i, 0)),
        pl.BlockSpec((_BN, _D), lambda i: (i, 0)),
    ],
    out_shape=[
        jax.ShapeDtypeStruct((_N, _D), _F32),
        jax.ShapeDtypeStruct((_N, 2 * _D), _F32),
        jax.ShapeDtypeStruct((_N, _D), _F32),
    ],
)


def _sc_gather_body(qn_hbm, kv_hbm, dst_hbm, src_hbm, qd_hbm, kvs_hbm,
                    dstv, srcv, qa, kva, qb, kvb, qc, kvc,
                    gqa, gkva, gqb, gkvb, gqc, gkvc,
                    wqa, wkva, wqb, wkvb, wqc, wkvc):
    wid = lax.axis_index("s") * _NC + lax.axis_index("c")
    base = wid * _PERW
    pltpu.sync_copy(dst_hbm.at[wid], dstv)
    pltpu.sync_copy(src_hbm.at[wid], srcv)

    def triple(t, carry):
        ja = 3 * t
        jb = 3 * t + 1
        jc = 3 * t + 2
        offa = base + ja * _CH
        offb = base + jb * _CH
        offc = base + jc * _CH
        ga1 = pltpu.async_copy(qn_hbm.at[dstv.at[ja]], qa, gqa)
        ga2 = pltpu.async_copy(kv_hbm.at[srcv.at[ja]], kva, gkva)
        gb1 = pltpu.async_copy(qn_hbm.at[dstv.at[jb]], qb, gqb)
        gb2 = pltpu.async_copy(kv_hbm.at[srcv.at[jb]], kvb, gkvb)
        gc1 = pltpu.async_copy(qn_hbm.at[dstv.at[jc]], qc, gqc)
        gc2 = pltpu.async_copy(kv_hbm.at[srcv.at[jc]], kvc, gkvc)
        ga1.wait()
        ga2.wait()
        wa1 = pltpu.async_copy(qa, qd_hbm.at[pl.ds(offa, _CH)], wqa)
        wa2 = pltpu.async_copy(kva, kvs_hbm.at[pl.ds(offa, _CH)], wkva)
        gb1.wait()
        gb2.wait()
        wb1 = pltpu.async_copy(qb, qd_hbm.at[pl.ds(offb, _CH)], wqb)
        wb2 = pltpu.async_copy(kvb, kvs_hbm.at[pl.ds(offb, _CH)], wkvb)
        gc1.wait()
        gc2.wait()
        wc1 = pltpu.async_copy(qc, qd_hbm.at[pl.ds(offc, _CH)], wqc)
        wc2 = pltpu.async_copy(kvc, kvs_hbm.at[pl.ds(offc, _CH)], wkvc)
        wa1.wait()
        wa2.wait()
        wb1.wait()
        wb2.wait()
        wc1.wait()
        wc2.wait()
        return carry

    lax.fori_loop(0, _GCH // 3, triple, 0)

    ja = _GCH - 2
    jb = _GCH - 1
    offa = base + ja * _CH
    offb = base + jb * _CH
    ga1 = pltpu.async_copy(qn_hbm.at[dstv.at[ja]], qa, gqa)
    ga2 = pltpu.async_copy(kv_hbm.at[srcv.at[ja]], kva, gkva)
    gb1 = pltpu.async_copy(qn_hbm.at[dstv.at[jb]], qb, gqb)
    gb2 = pltpu.async_copy(kv_hbm.at[srcv.at[jb]], kvb, gkvb)
    ga1.wait()
    ga2.wait()
    wa1 = pltpu.async_copy(qa, qd_hbm.at[pl.ds(offa, _CH)], wqa)
    wa2 = pltpu.async_copy(kva, kvs_hbm.at[pl.ds(offa, _CH)], wkva)
    gb1.wait()
    gb2.wait()
    pltpu.sync_copy(qb, qd_hbm.at[pl.ds(offb, _CH)])
    pltpu.sync_copy(kvb, kvs_hbm.at[pl.ds(offb, _CH)])
    wa1.wait()
    wa2.wait()


_sc_gather = pl.kernel(
    _sc_gather_body,
    out_type=(
        jax.ShapeDtypeStruct((_E, _D), _F32),
        jax.ShapeDtypeStruct((_E, 2 * _D), _F32),
    ),
    mesh=_sc_mesh,
    scratch_types=[
        pltpu.VMEM((_GCH, _CH), jnp.int32),
        pltpu.VMEM((_GCH, _CH), jnp.int32),
        pltpu.VMEM((_CH, _D), _F32),
        pltpu.VMEM((_CH, 2 * _D), _F32),
        pltpu.VMEM((_CH, _D), _F32),
        pltpu.VMEM((_CH, 2 * _D), _F32),
        pltpu.VMEM((_CH, _D), _F32),
        pltpu.VMEM((_CH, 2 * _D), _F32),
    ] + [pltpu.SemaphoreType.DMA] * 12,
)


def _edge_body(ea_ref, qd_ref, kvs_ref, we_ref, m_ref, ex_ref):
    e = jnp.dot(ea_ref[...], we_ref[...], preferred_element_type=_F32)
    kk = kvs_ref[:, :_D] + e
    vv = kvs_ref[:, _D:] + e
    s_fold = _head_indicator(_D, _H, _C, 1)
    s_bcast = _head_indicator(_H, _D, 1, _C)
    alpha = jnp.dot(qd_ref[...] * kk, s_fold, preferred_element_type=_F32) * 0.25
    exv = jnp.exp(alpha)
    exb = jnp.dot(exv, s_bcast, preferred_element_type=_F32)
    m_ref[...] = vv * exb
    ex_ref[...] = exb


_edges = pl.pallas_call(
    _edge_body,
    grid=(_E // _BE,),
    in_specs=[
        pl.BlockSpec((_BE, _D), lambda i: (i, 0)),
        pl.BlockSpec((_BE, _D), lambda i: (i, 0)),
        pl.BlockSpec((_BE, 2 * _D), lambda i: (i, 0)),
        pl.BlockSpec((_D, _D), lambda i: (0, 0)),
    ],
    out_specs=[
        pl.BlockSpec((_BE, _D), lambda i: (i, 0)),
        pl.BlockSpec((_BE, _D), lambda i: (i, 0)),
    ],
    out_shape=[
        jax.ShapeDtypeStruct((_E, _D), _F32),
        jax.ShapeDtypeStruct((_E, _D), _F32),
    ],
)


def _sc_scatter_body(m_hbm, ex_hbm, dst_hbm, z_hbm, acc_hbm,
                     ia, ib, ra, rb, zb, acc_s,
                     sia, sib, sla, slb, ssa, ssb):
    c = lax.axis_index("c")
    s = lax.axis_index("s")
    base = s * _EPT

    pltpu.sync_copy(z_hbm, zb)

    def zstep(k, carry):
        r0 = s * _RPT + k * _ZCH
        pltpu.async_copy(zb, acc_s.at[pl.ds(r0, _ZCH)], sia)
        return carry

    lax.fori_loop(0, _RPT // _ZCH, zstep, 0)

    def zdrain(k, carry):
        pltpu.make_async_copy(zb, acc_s.at[pl.ds(s * _RPT, _ZCH)], sia).wait()
        return carry

    lax.fori_loop(0, _RPT // _ZCH, zdrain, 0)
    plsc.subcore_barrier()

    def pair(t, carry):
        offa = base + (2 * t) * _CH
        offb = base + (2 * t + 1) * _CH
        cia = pltpu.async_copy(dst_hbm.at[pl.ds(offa, _CH)], ia, sia)
        cib = pltpu.async_copy(dst_hbm.at[pl.ds(offb, _CH)], ib, sib)

        @pl.when(c == 0)
        def _load_m():
            pltpu.async_copy(m_hbm.at[pl.ds(offa, _CH)], ra, sla)
            pltpu.async_copy(m_hbm.at[pl.ds(offb, _CH)], rb, slb)

        @pl.when(c == 1)
        def _load_ex():
            pltpu.async_copy(ex_hbm.at[pl.ds(offa, _CH)], ra, sla)
            pltpu.async_copy(ex_hbm.at[pl.ds(offb, _CH)], rb, slb)

        la = pltpu.make_async_copy(m_hbm.at[pl.ds(offa, _CH)], ra, sla)
        lb = pltpu.make_async_copy(m_hbm.at[pl.ds(offb, _CH)], rb, slb)
        cia.wait()
        la.wait()
        sa = pltpu.async_copy(ra, acc_s.at[ia], ssa, add=True)
        cib.wait()
        lb.wait()
        sb = pltpu.async_copy(rb, acc_s.at[ib], ssb, add=True)
        sa.wait()
        sb.wait()
        return carry

    lax.fori_loop(0, _SCH // 2, pair, 0)
    plsc.subcore_barrier()

    def opair(k, carry):
        r0 = s * _RPT + (2 * k) * _CH
        r1 = s * _RPT + (2 * k + 1) * _CH
        oa = pltpu.async_copy(acc_s.at[pl.ds(r0, _CH)], ra, sla)
        ob = pltpu.async_copy(acc_s.at[pl.ds(r1, _CH)], rb, slb)
        oa.wait()
        wa = pltpu.async_copy(ra, acc_hbm.at[pl.ds(c * _NPAD + r0, _CH)], ssa)
        ob.wait()
        wb = pltpu.async_copy(rb, acc_hbm.at[pl.ds(c * _NPAD + r1, _CH)], ssb)
        wa.wait()
        wb.wait()
        return carry

    lax.fori_loop(0, _RPT // _CH // 2, opair, 0)


_sc_scatter = pl.kernel(
    _sc_scatter_body,
    out_type=jax.ShapeDtypeStruct((_NC * _NPAD, _D), _F32),
    mesh=_sc_mesh,
    scratch_types=[
        pltpu.VMEM((_CH,), jnp.int32),
        pltpu.VMEM((_CH,), jnp.int32),
        pltpu.VMEM((_CH, _D), _F32),
        pltpu.VMEM((_CH, _D), _F32),
        pltpu.VMEM((_ZCH, _D), _F32),
        pltpu.VMEM_SHARED((_NPAD, _D), _F32),
    ] + [pltpu.SemaphoreType.DMA] * 6,
)


def _final_body(acc_ref, sk_ref, out_ref):
    am = acc_ref[0]
    dd = acc_ref[1]
    out_ref[...] = am / (dd + 1e-16) + sk_ref[...]


_final = pl.pallas_call(
    _final_body,
    grid=(_N // _BN,),
    in_specs=[
        pl.BlockSpec((_NC, _BN, _D), lambda i: (0, i, 0)),
        pl.BlockSpec((_BN, _D), lambda i: (i, 0)),
    ],
    out_specs=pl.BlockSpec((_BN, _D), lambda i: (i, 0)),
    out_shape=jax.ShapeDtypeStruct((_N, _D), _F32),
)


def kernel(x, edge_index, edge_attr, Wq, bq, Wk, bk, Wv, bv, We, Wskip, bskip):
    src = edge_index[0].astype(jnp.int32)
    dst = edge_index[1].astype(jnp.int32)
    wkv = jnp.concatenate([Wk, Wv], axis=1)
    bkv = jnp.concatenate([bk, bv], axis=0)
    qn, kv, sk = _proj(x, Wq, bq.reshape(1, _D), wkv, bkv.reshape(1, 2 * _D),
                       Wskip, bskip.reshape(1, _D))
    dst4 = dst.reshape(_NW, _GCH, _CH)
    src4 = src.reshape(_NW, _GCH, _CH)
    qd, kvs = _sc_gather(qn, kv, dst4, src4)
    m, exb = _edges(edge_attr, qd, kvs, We)
    z = jnp.zeros((_ZCH, _D), _F32)
    acc = _sc_scatter(m, exb, dst, z)
    return _final(acc.reshape(_NC, _NPAD, _D), sk)

# --- scband reference (transcript-rebuilt; emitter-appended) ---
"""Pipeline reference for scband-transformer-conv-10995116277970 (READ-ONLY COPY).

The authoritative reference and input builder live on the scoring server;
editing this copy changes nothing except your own understanding.
"""

import jax, jax.numpy as jnp
import numpy as np

N = 10000
E = 320000
NIN = 128
NOUT = 128
H = 8
C = NOUT // H  # 16 per-head channels


def _uniform(key, shape, fan_in):
    s = 1.0 / np.sqrt(fan_in)
    return jax.random.uniform(key, shape, jnp.float32, -s, s)


def setup_inputs(seed: int = 0) -> dict:
    key = jax.random.key(seed)
    ks = jax.random.split(key, 12)
    x = jax.random.normal(ks[0], (N, NIN), jnp.float32)
    edge_index = jax.random.randint(ks[1], (2, E), 0, N, dtype=jnp.int64)
    edge_attr = jax.random.normal(ks[2], (E, NIN), jnp.float32)
    # PyG TransformerConv params: lin_query/lin_key/lin_value (bias=True),
    # lin_edge (bias=False), lin_skip (bias=bias=True)
    Wq = _uniform(ks[3], (NIN, H * C), NIN)
    bq = _uniform(ks[4], (H * C,), NIN)
    Wk = _uniform(ks[5], (NIN, H * C), NIN)
    bk = _uniform(ks[6], (H * C,), NIN)
    Wv = _uniform(ks[7], (NIN, H * C), NIN)
    bv = _uniform(ks[8], (H * C,), NIN)
    We = _uniform(ks[9], (NIN, H * C), NIN)
    Wskip = _uniform(ks[10], (NIN, H * C), NIN)
    bskip = _uniform(ks[11], (H * C,), NIN)
    return {"x": x, "edge_index": edge_index, "edge_attr": edge_attr,
            "Wq": Wq, "bq": bq, "Wk": Wk, "bk": bk, "Wv": Wv, "bv": bv,
            "We": We, "Wskip": Wskip, "bskip": bskip}


def reference(x, edge_index, edge_attr, Wq, bq, Wk, bk, Wv, bv, We, Wskip, bskip):
    src = edge_index[0]
    dst = edge_index[1]
    # Linear projections then gather per-edge
    q = (x @ Wq + bq)[dst].reshape(E, H, C)
    k = (x @ Wk + bk)[src].reshape(E, H, C)
    v = (x @ Wv + bv)[src].reshape(E, H, C)
    e = (edge_attr @ We).reshape(E, H, C)  # lin_edge has no bias
    k = k + e
    v = v + e
    # attention logits per edge per head
    alpha = (q * k).sum(-1) / jnp.sqrt(jnp.float32(C))  # [E, H]
    # segment softmax over incoming edges of each dst node
    amax = jax.ops.segment_max(alpha, dst, num_segments=N)  # [N, H]
    amax = jnp.where(jnp.isfinite(amax), amax, 0.0)
    ex = jnp.exp(alpha - amax[dst])
    denom = jax.ops.segment_sum(ex, dst, num_segments=N)  # [N, H]
    attn = ex / (denom[dst] + 1e-16)  # [E, H]
    # weighted message aggregation (scatter-add to dst)
    msg = (v * attn[..., None]).reshape(E, H * C)
    out = jax.ops.segment_sum(msg, dst, num_segments=N)  # [N, H*C]
    # root/skip connection (concat=True path)
    out = out + x @ Wskip + bskip
    return out

if __name__ == "__main__":
    import jax
    _d = setup_inputs()
    print(jax.jit(kernel)(*tuple(_d.values())))

</pallas_src>

<mosaic_0001>
#map = affine_map<(d0, d1) -> (0, 0)>
#map1 = affine_map<(d0, d1) -> (0, 0, 0)>
module attributes {stable_mosaic.version = 14 : i64} {
  func.func @_sc_gather_body(%arg0: i32, %arg1: i32, %arg2: memref<10000x128xf32, #tpu.memory_space<hbm>>, %arg3: memref<10000x256xf32, #tpu.memory_space<hbm>>, %arg4: memref<32x125x80xi32, #tpu.memory_space<hbm>>, %arg5: memref<32x125x80xi32, #tpu.memory_space<hbm>>, %arg6: memref<320000x128xf32, #tpu.memory_space<hbm>>, %arg7: memref<320000x256xf32, #tpu.memory_space<hbm>>, %arg8: memref<125x80xi32, #tpu.memory_space<vmem>>, %arg9: memref<125x80xi32, #tpu.memory_space<vmem>>, %arg10: memref<80x128xf32, #tpu.memory_space<vmem>>, %arg11: memref<80x256xf32, #tpu.memory_space<vmem>>, %arg12: memref<80x128xf32, #tpu.memory_space<vmem>>, %arg13: memref<80x256xf32, #tpu.memory_space<vmem>>, %arg14: memref<80x128xf32, #tpu.memory_space<vmem>>, %arg15: memref<80x256xf32, #tpu.memory_space<vmem>>, %arg16: memref<!tpu.dma_semaphore, #tpu.memory_space<semaphore_mem>>, %arg17: memref<!tpu.dma_semaphore, #tpu.memory_space<semaphore_mem>>, %arg18: memref<!tpu.dma_semaphore, #tpu.memory_space<semaphore_mem>>, %arg19: memref<!tpu.dma_semaphore, #tpu.memory_space<semaphore_mem>>, %arg20: memref<!tpu.dma_semaphore, #tpu.memory_space<semaphore_mem>>, %arg21: memref<!tpu.dma_semaphore, #tpu.memory_space<semaphore_mem>>, %arg22: memref<!tpu.dma_semaphore, #tpu.memory_space<semaphore_mem>>, %arg23: memref<!tpu.dma_semaphore, #tpu.memory_space<semaphore_mem>>, %arg24: memref<!tpu.dma_semaphore, #tpu.memory_space<semaphore_mem>>, %arg25: memref<!tpu.dma_semaphore, #tpu.memory_space<semaphore_mem>>, %arg26: memref<!tpu.dma_semaphore, #tpu.memory_space<semaphore_mem>>, %arg27: memref<!tpu.dma_semaphore, #tpu.memory_space<semaphore_mem>>) attributes {dimension_semantics = [#tpu.dimension_semantics<core_parallel>, #tpu.dimension_semantics<subcore_parallel>], iteration_bounds = array<i64: 2, 16>, scalar_prefetch = 0 : i64, scratch_operands = 20 : i64, tpu.core_type = #tpu.core_type<sc_vector_subcore>, window_params = [{transform_indices = #map}, {transform_indices = #map}, {transform_indices = #map1}, {transform_indices = #map1}, {transform_indices = #map}, {transform_indices = #map}]} {
    %mul3A = arith.constant 2 : i32
    %mul3A_0 = arith.muli %arg1, %mul3A : i32
    %add3A = arith.addi %mul3A_0, %arg0 : i32
    %mul3A_1 = arith.constant 10000 : i32
    %mul3A_2 = arith.muli %add3A, %mul3A_1 : i32
    "tpu.region"() ({
      %run_scoped3A = tpu.sem_alloc : memref<!tpu.dma_semaphore, #tpu.memory_space<semaphore_mem>>
      %dma_start3A_82 = arith.constant 0 : i32
      %dma_start3A_83 = arith.constant 0 : i32
      %dma_start3A_84 = tpu.memref_slice %arg4[%add3A, %dma_start3A_82, %dma_start3A_83] : memref<32x125x80xi32, #tpu.memory_space<hbm>> -> memref<1x125x80xi32, #tpu.memory_space<hbm>>
      %dma_start3A_85 = tpu.memref_squeeze %dma_start3A_84 : memref<1x125x80xi32, #tpu.memory_space<hbm>> -> memref<125x80xi32, #tpu.memory_space<hbm>>
      %dma_start3A_86 = arith.constant 0 : i32
      %dma_start3A_87 = arith.constant 0 : i32
      %dma_start3A_88 = tpu.memref_slice %arg4[%add3A, %dma_start3A_86, %dma_start3A_87] : memref<32x125x80xi32, #tpu.memory_space<hbm>> -> memref<1x125x80xi32, #tpu.memory_space<hbm>>
      %dma_start3A_89 = tpu.memref_squeeze %dma_start3A_88 : memref<1x125x80xi32, #tpu.memory_space<hbm>> -> memref<125x80xi32, #tpu.memory_space<hbm>>
      tpu.enqueue_dma source(%dma_start3A_89 : memref<125x80xi32, #tpu.memory_space<hbm>>) target(%arg8 : memref<125x80xi32, #tpu.memory_space<vmem>>) target_semaphore(%run_scoped3A : memref<!tpu.dma_semaphore, #tpu.memory_space<semaphore_mem>>)
      %dma_wait3A_90 = arith.constant 0 : i32
      %dma_wait3A_91 = arith.constant 0 : i32
      %dma_wait3A_92 = tpu.memref_slice %arg4[%add3A, %dma_wait3A_90, %dma_wait3A_91] : memref<32x125x80xi32, #tpu.memory_space<hbm>> -> memref<1x125x80xi32, #tpu.memory_space<hbm>>
      %dma_wait3A_93 = tpu.memref_squeeze %dma_wait3A_92 : memref<1x125x80xi32, #tpu.memory_space<hbm>> -> memref<125x80xi32, #tpu.memory_space<hbm>>
      %dma_wait3A_94 = arith.constant 0 : i32
      %dma_wait3A_95 = arith.constant 0 : i32
      %dma_wait3A_96 = tpu.memref_slice %arg4[%add3A, %dma_wait3A_94, %dma_wait3A_95] : memref<32x125x80xi32, #tpu.memory_space<hbm>> -> memref<1x125x80xi32, #tpu.memory_space<hbm>>
      %dma_wait3A_97 = tpu.memref_squeeze %dma_wait3A_96 : memref<1x125x80xi32, #tpu.memory_space<hbm>> -> memref<125x80xi32, #tpu.memory_space<hbm>>
      tpu.wait_dma2 semaphore(%run_scoped3A : memref<!tpu.dma_semaphore, #tpu.memory_space<semaphore_mem>>) src(%dma_wait3A_97 : memref<125x80xi32, #tpu.memory_space<hbm>>) dst(%arg8 : memref<125x80xi32, #tpu.memory_space<vmem>>)
      tpu.yield
    }) : () -> ()
    "tpu.region"() ({
      %run_scoped3A = tpu.sem_alloc : memref<!tpu.dma_semaphore, #tpu.memory_space<semaphore_mem>>
      %dma_start3A_82 = arith.constant 0 : i32
      %dma_start3A_83 = arith.constant 0 : i32
      %dma_start3A_84 = tpu.memref_slice %arg5[%add3A, %dma_start3A_82, %dma_start3A_83] : memref<32x125x80xi32, #tpu.memory_space<hbm>> -> memref<1x125x80xi32, #tpu.memory_space<hbm>>
      %dma_start3A_85 = tpu.memref_squeeze %dma_start3A_84 : memref<1x125x80xi32, #tpu.memory_space<hbm>> -> memref<125x80xi32, #tpu.memory_space<hbm>>
      %dma_start3A_86 = arith.constant 0 : i32
      %dma_start3A_87 = arith.constant 0 : i32
      %dma_start3A_88 = tpu.memref_slice %arg5[%add3A, %dma_start3A_86, %dma_start3A_87] : memref<32x125x80xi32, #tpu.memory_space<hbm>> -> memref<1x125x80xi32, #tpu.memory_space<hbm>>
      %dma_start3A_89 = tpu.memref_squeeze %dma_start3A_88 : memref<1x125x80xi32, #tpu.memory_space<hbm>> -> memref<125x80xi32, #tpu.memory_space<hbm>>
      tpu.enqueue_dma source(%dma_start3A_89 : memref<125x80xi32, #tpu.memory_space<hbm>>) target(%arg9 : memref<125x80xi32, #tpu.memory_space<vmem>>) target_semaphore(%run_scoped3A : memref<!tpu.dma_semaphore, #tpu.memory_space<semaphore_mem>>)
      %dma_wait3A_90 = arith.constant 0 : i32
      %dma_wait3A_91 = arith.constant 0 : i32
      %dma_wait3A_92 = tpu.memref_slice %arg5[%add3A, %dma_wait3A_90, %dma_wait3A_91] : memref<32x125x80xi32, #tpu.memory_space<hbm>> -> memref<1x125x80xi32, #tpu.memory_space<hbm>>
      %dma_wait3A_93 = tpu.memref_squeeze %dma_wait3A_92 : memref<1x125x80xi32, #tpu.memory_space<hbm>> -> memref<125x80xi32, #tpu.memory_space<hbm>>
      %dma_wait3A_94 = arith.constant 0 : i32
      %dma_wait3A_95 = arith.constant 0 : i32
      %dma_wait3A_96 = tpu.memref_slice %arg5[%add3A, %dma_wait3A_94, %dma_wait3A_95] : memref<32x125x80xi32, #tpu.memory_space<hbm>> -> memref<1x125x80xi32, #tpu.memory_space<hbm>>
      %dma_wait3A_97 = tpu.memref_squeeze %dma_wait3A_96 : memref<1x125x80xi32, #tpu.memory_space<hbm>> -> memref<125x80xi32, #tpu.memory_space<hbm>>
      tpu.wait_dma2 semaphore(%run_scoped3A : memref<!tpu.dma_semaphore, #tpu.memory_space<semaphore_mem>>) src(%dma_wait3A_97 : memref<125x80xi32, #tpu.memory_space<hbm>>) dst(%arg9 : memref<125x80xi32, #tpu.memory_space<vmem>>)
      tpu.yield
    }) : () -> ()
    %scan3A = arith.constant 0 : i32
    %scan3A_3 = arith.constant 0 : i32
    %scan3A_4 = arith.constant 41 : i32
    %scan3A_5 = arith.addi %scan3A_3, %scan3A_4 : i32
    %scan3A_6 = arith.constant 1 : i32
    scf.for %scan3A_82 = %scan3A_3 to %scan3A_5 step %scan3A_6  : i32 {
      %mul3A_83 = arith.constant 3 : i32
      %mul3A_84 = arith.muli %mul3A_83, %scan3A_82 : i32
      %mul3A_85 = arith.constant 3 : i32
      %mul3A_86 = arith.muli %mul3A_85, %scan3A_82 : i32
      %add3A_87 = arith.constant 1 : i32
      %add3A_88 = arith.addi %mul3A_86, %add3A_87 : i32
      %mul3A_89 = arith.constant 3 : i32
      %mul3A_90 = arith.muli %mul3A_89, %scan3A_82 : i32
      %add3A_91 = arith.constant 2 : i32
      %add3A_92 = arith.addi %mul3A_90, %add3A_91 : i32
      %mul3A_93 = arith.constant 80 : i32
      %mul3A_94 = arith.muli %mul3A_84, %mul3A_93 : i32
      %add3A_95 = arith.addi %mul3A_2, %mul3A_94 : i32
      %mul3A_96 = arith.constant 80 : i32
      %mul3A_97 = arith.muli %add3A_88, %mul3A_96 : i32
      %add3A_98 = arith.addi %mul3A_2, %mul3A_97 : i32
      %mul3A_99 = arith.constant 80 : i32
      %mul3A_100 = arith.muli %add3A_92, %mul3A_99 : i32
      %add3A_101 = arith.addi %mul3A_2, %mul3A_100 : i32
      %dma_start3A_102 = arith.constant 0 : i32
      %dma_start3A_103 = tpu.memref_slice %arg8[%mul3A_84, %dma_start3A_102] : memref<125x80xi32, #tpu.memory_space<vmem>> -> memref<1x80xi32, #tpu.memory_space<vmem>>
      %dma_start3A_104 = tpu.memref_squeeze %dma_start3A_103 : memref<1x80xi32, #tpu.memory_space<vmem>> -> memref<80xi32, #tpu.memory_space<vmem>>
      %dma_start3A_105 = arith.constant 0 : i32
      %dma_start3A_106 = arith.constant 0 : i32
      %dma_start3A_107 = tpu.memref_slice %arg2[%dma_start3A_105, %dma_start3A_106] : memref<10000x128xf32, #tpu.memory_space<hbm>> -> memref<10000x128xf32, #tpu.memory_space<hbm>>
      tpu.enqueue_indirect_dma source(%dma_start3A_107 : memref<10000x128xf32, #tpu.memory_space<hbm>>) target(%arg10 : memref<80x128xf32, #tpu.memory_space<vmem>>) offsets(%dma_start3A_104 : memref<80xi32, #tpu.memory_space<vmem>>) semaphore(%arg16 : memref<!tpu.dma_semaphore, #tpu.memory_space<semaphore_mem>>)
      %dma_start3A_108 = arith.constant 0 : i32
      %dma_start3A_109 = tpu.memref_slice %arg9[%mul3A_84, %dma_start3A_108] : memref<125x80xi32, #tpu.memory_space<vmem>> -> memref<1x80xi32, #tpu.memory_space<vmem>>
      %dma_start3A_110 = tpu.memref_squeeze %dma_start3A_109 : memref<1x80xi32, #tpu.memory_space<vmem>> -> memref<80xi32, #tpu.memory_space<vmem>>
      %dma_start3A_111 = arith.constant 0 : i32
      %dma_start3A_112 = arith.constant 0 : i32
      %dma_start3A_113 = tpu.memref_slice %arg3[%dma_start3A_111, %dma_start3A_112] : memref<10000x256xf32, #tpu.memory_space<hbm>> -> memref<10000x256xf32, #tpu.memory_space<hbm>>
      tpu.enqueue_indirect_dma source(%dma_start3A_113 : memref<10000x256xf32, #tpu.memory_space<hbm>>) target(%arg11 : memref<80x256xf32, #tpu.memory_space<vmem>>) offsets(%dma_start3A_110 : memref<80xi32, #tpu.memory_space<vmem>>) semaphore(%arg17 : memref<!tpu.dma_semaphore, #tpu.memory_space<semaphore_mem>>)
      %dma_start3A_114 = arith.constant 0 : i32
      %dma_start3A_115 = tpu.memref_slice %arg8[%add3A_88, %dma_start3A_114] : memref<125x80xi32, #tpu.memory_space<vmem>> -> memref<1x80xi32, #tpu.memory_space<vmem>>
      %dma_start3A_116 = tpu.memref_squeeze %dma_start3A_115 : memref<1x80xi32, #tpu.memory_space<vmem>> -> memref<80xi32, #tpu.memory_space<vmem>>
      %dma_start3A_117 = arith.constant 0 : i32
      %dma_start3A_118 = arith.constant 0 : i32
      %dma_start3A_119 = tpu.memref_slice %arg2[%dma_start3A_117, %dma_start3A_118] : memref<10000x128xf32, #tpu.memory_space<hbm>> -> memref<10000x128xf32, #tpu.memory_space<hbm>>
      tpu.enqueue_indirect_dma source(%dma_start3A_119 : memref<10000x128xf32, #tpu.memory_space<hbm>>) target(%arg12 : memref<80x128xf32, #tpu.memory_space<vmem>>) offsets(%dma_start3A_116 : memref<80xi32, #tpu.memory_space<vmem>>) semaphore(%arg18 : memref<!tpu.dma_semaphore, #tpu.memory_space<semaphore_mem>>)
      %dma_start3A_120 = arith.constant 0 : i32
      %dma_start3A_121 = tpu.memref_slice %arg9[%add3A_88, %dma_start3A_120] : memref<125x80xi32, #tpu.memory_space<vmem>> -> memref<1x80xi32, #tpu.memory_space<vmem>>
      %dma_start3A_122 = tpu.memref_squeeze %dma_start3A_121 : memref<1x80xi32, #tpu.memory_space<vmem>> -> memref<80xi32, #tpu.memory_space<vmem>>
      %dma_start3A_123 = arith.constant 0 : i32
      %dma_start3A_124 = arith.constant 0 : i32
      %dma_start3A_125 = tpu.memref_slice %arg3[%dma_start3A_123, %dma_start3A_124] : memref<10000x256xf32, #tpu.memory_space<hbm>> -> memref<10000x256xf32, #tpu.memory_space<hbm>>
      tpu.enqueue_indirect_dma source(%dma_start3A_125 : memref<10000x256xf32, #tpu.memory_space<hbm>>) target(%arg13 : memref<80x256xf32, #tpu.memory_space<vmem>>) offsets(%dma_start3A_122 : memref<80xi32, #tpu.memory_space<vmem>>) semaphore(%arg19 : memref<!tpu.dma_semaphore, #tpu.memory_space<semaphore_mem>>)
      %dma_start3A_126 = arith.constant 0 : i32
      %dma_start3A_127 = tpu.memref_slice %arg8[%add3A_92, %dma_start3A_126] : memref<125x80xi32, #tpu.memory_space<vmem>> -> memref<1x80xi32, #tpu.memory_space<vmem>>
      %dma_start3A_128 = tpu.memref_squeeze %dma_start3A_127 : memref<1x80xi32, #tpu.memory_space<vmem>> -> memref<80xi32, #tpu.memory_space<vmem>>
      %dma_start3A_129 = arith.constant 0 : i32
      %dma_start3A_130 = arith.constant 0 : i32
      %dma_start3A_131 = tpu.memref_slice %arg2[%dma_start3A_129, %dma_start3A_130] : memref<10000x128xf32, #tpu.memory_space<hbm>> -> memref<10000x128xf32, #tpu.memory_space<hbm>>
      tpu.enqueue_indirect_dma source(%dma_start3A_131 : memref<10000x128xf32, #tpu.memory_space<hbm>>) target(%arg14 : memref<80x128xf32, #tpu.memory_space<vmem>>) offsets(%dma_start3A_128 : memref<80xi32, #tpu.memory_space<vmem>>) semaphore(%arg20 : memref<!tpu.dma_semaphore, #tpu.memory_space<semaphore_mem>>)
      %dma_start3A_132 = arith.constant 0 : i32
      %dma_start3A_133 = tpu.memref_slice %arg9[%add3A_92, %dma_start3A_132] : memref<125x80xi32, #tpu.memory_space<vmem>> -> memref<1x80xi32, #tpu.memory_space<vmem>>
      %dma_start3A_134 = tpu.memref_squeeze %dma_start3A_133 : memref<1x80xi32, #tpu.memory_space<vmem>> -> memref<80xi32, #tpu.memory_space<vmem>>
      %dma_start3A_135 = arith.constant 0 : i32
      %dma_start3A_136 = arith.constant 0 : i32
      %dma_start3A_137 = tpu.memref_slice %arg3[%dma_start3A_135, %dma_start3A_136] : memref<10000x256xf32, #tpu.memory_space<hbm>> -> memref<10000x256xf32, #tpu.memory_space<hbm>>
      tpu.enqueue_indirect_dma source(%dma_start3A_137 : memref<10000x256xf32, #tpu.memory_space<hbm>>) target(%arg15 : memref<80x256xf32, #tpu.memory_space<vmem>>) offsets(%dma_start3A_134 : memref<80xi32, #tpu.memory_space<vmem>>) semaphore(%arg21 : memref<!tpu.dma_semaphore, #tpu.memory_space<semaphore_mem>>)
      %dma_wait3A_138 = arith.constant 0 : i32
      %dma_wait3A_139 = tpu.memref_slice %arg8[%mul3A_84, %dma_wait3A_138] : memref<125x80xi32, #tpu.memory_space<vmem>> -> memref<1x80xi32, #tpu.memory_space<vmem>>
      %dma_wait3A_140 = tpu.memref_squeeze %dma_wait3A_139 : memref<1x80xi32, #tpu.memory_space<vmem>> -> memref<80xi32, #tpu.memory_space<vmem>>
      %dma_wait3A_141 = arith.constant 0 : i32
      %dma_wait3A_142 = arith.constant 0 : i32
      %dma_wait3A_143 = tpu.memref_slice %arg2[%dma_wait3A_141, %dma_wait3A_142] : memref<10000x128xf32, #tpu.memory_space<hbm>> -> memref<10000x128xf32, #tpu.memory_space<hbm>>
      tpu.wait_indirect_dma semaphore(%arg16 : memref<!tpu.dma_semaphore, #tpu.memory_space<semaphore_mem>>) src(%dma_wait3A_143 : memref<10000x128xf32, #tpu.memory_space<hbm>>) dst(%arg10 : memref<80x128xf32, #tpu.memory_space<vmem>>)
      %dma_wait3A_144 = arith.constant 0 : i32
      %dma_wait3A_145 = tpu.memref_slice %arg9[%mul3A_84, %dma_wait3A_144] : memref<125x80xi32, #tpu.memory_space<vmem>> -> memref<1x80xi32, #tpu.memory_space<vmem>>
      %dma_wait3A_146 = tpu.memref_squeeze %dma_wait3A_145 : memref<1x80xi32, #tpu.memory_space<vmem>> -> memref<80xi32, #tpu.memory_space<vmem>>
      %dma_wait3A_147 = arith.constant 0 : i32
      %dma_wait3A_148 = arith.constant 0 : i32
      %dma_wait3A_149 = tpu.memref_slice %arg3[%dma_wait3A_147, %dma_wait3A_148] : memref<10000x256xf32, #tpu.memory_space<hbm>> -> memref<10000x256xf32, #tpu.memory_space<hbm>>
      tpu.wait_indirect_dma semaphore(%arg17 : memref<!tpu.dma_semaphore, #tpu.memory_space<semaphore_mem>>) src(%dma_wait3A_149 : memref<10000x256xf32, #tpu.memory_space<hbm>>) dst(%arg11 : memref<80x256xf32, #tpu.memory_space<vmem>>)
      %dma_start3A_150 = arith.constant 0 : i32
      %dma_start3A_151 = tpu.memref_slice %arg6[%add3A_95, %dma_start3A_150] : memref<320000x128xf32, #tpu.memory_space<hbm>> -> memref<80x128xf32, #tpu.memory_space<hbm>>
      %dma_start3A_152 = arith.constant 0 : i32
      %dma_start3A_153 = tpu.memref_slice %arg6[%add3A_95, %dma_start3A_152] : memref<320000x128xf32, #tpu.memory_space<hbm>> -> memref<80x128xf32, #tpu.memory_space<hbm>>
      tpu.enqueue_dma source(%arg10 : memref<80x128xf32, #tpu.memory_space<vmem>>) target(%dma_start3A_153 : memref<80x128xf32, #tpu.memory_space<hbm>>) target_semaphore(%arg22 : memref<!tpu.dma_semaphore, #tpu.memory_space<semaphore_mem>>)
      %dma_start3A_154 = arith.constant 0 : i32
      %dma_start3A_155 = tpu.memref_slice %arg7[%add3A_95, %dma_start3A_154] : memref<320000x256xf32, #tpu.memory_space<hbm>> -> memref<80x256xf32, #tpu.memory_space<hbm>>
      %dma_start3A_156 = arith.constant 0 : i32
      %dma_start3A_157 = tpu.memref_slice %arg7[%add3A_95, %dma_start3A_156] : memref<320000x256xf32, #tpu.memory_space<hbm>> -> memref<80x256xf32, #tpu.memory_space<hbm>>
      tpu.enqueue_dma source(%arg11 : memref<80x256xf32, #tpu.memory_space<vmem>>) target(%dma_start3A_157 : memref<80x256xf32, #tpu.memory_space<hbm>>) target_semaphore(%arg23 : memref<!tpu.dma_semaphore, #tpu.memory_space<semaphore_mem>>)
      %dma_wait3A_158 = arith.constant 0 : i32
      %dma_wait3A_159 = tpu.memref_slice %arg8[%add3A_88, %dma_wait3A_158] : memref<125x80xi32, #tpu.memory_space<vmem>> -> memref<1x80xi32, #tpu.memory_space<vmem>>
      %dma_wait3A_160 = tpu.memref_squeeze %dma_wait3A_159 : memref<1x80xi32, #tpu.memory_space<vmem>> -> memref<80xi32, #tpu.memory_space<vmem>>
      %dma_wait3A_161 = arith.constant 0 : i32
      %dma_wait3A_162 = arith.constant 0 : i32
      %dma_wait3A_163 = tpu.memref_slice %arg2[%dma_wait3A_161, %dma_wait3A_162] : memref<10000x128xf32, #tpu.memory_space<hbm>> -> memref<10000x128xf32, #tpu.memory_space<hbm>>
      tpu.wait_indirect_dma semaphore(%arg18 : memref<!tpu.dma_semaphore, #tpu.memory_space<semaphore_mem>>) src(%dma_wait3A_163 : memref<10000x128xf32, #tpu.memory_space<hbm>>) dst(%arg12 : memref<80x128xf32, #tpu.memory_space<vmem>>)
      %dma_wait3A_164 = arith.constant 0 : i32
      %dma_wait3A_165 = tpu.memref_slice %arg9[%add3A_88, %dma_wait3A_164] : memref<125x80xi32, #tpu.memory_space<vmem>> -> memref<1x80xi32, #tpu.memory_space<vmem>>
      %dma_wait3A_166 = tpu.memref_squeeze %dma_wait3A_165 : memref<1x80xi32, #tpu.memory_space<vmem>> -> memref<80xi32, #tpu.memory_space<vmem>>
      %dma_wait3A_167 = arith.constant 0 : i32
      %dma_wait3A_168 = arith.constant 0 : i32
      %dma_wait3A_169 = tpu.memref_slice %arg3[%dma_wait3A_167, %dma_wait3A_168] : memref<10000x256xf32, #tpu.memory_space<hbm>> -> memref<10000x256xf32, #tpu.memory_space<hbm>>
      tpu.wait_indirect_dma semaphore(%arg19 : memref<!tpu.dma_semaphore, #tpu.memory_space<semaphore_mem>>) src(%dma_wait3A_169 : memref<10000x256xf32, #tpu.memory_space<hbm>>) dst(%arg13 : memref<80x256xf32, #tpu.memory_space<vmem>>)
      %dma_start3A_170 = arith.constant 0 : i32
      %dma_start3A_171 = tpu.memref_slice %arg6[%add3A_98, %dma_start3A_170] : memref<320000x128xf32, #tpu.memory_space<hbm>> -> memref<80x128xf32, #tpu.memory_space<hbm>>
      %dma_start3A_172 = arith.constant 0 : i32
      %dma_start3A_173 = tpu.memref_slice %arg6[%add3A_98, %dma_start3A_172] : memref<320000x128xf32, #tpu.memory_space<hbm>> -> memref<80x128xf32, #tpu.memory_space<hbm>>
      tpu.enqueue_dma source(%arg12 : memref<80x128xf32, #tpu.memory_space<vmem>>) target(%dma_start3A_173 : memref<80x128xf32, #tpu.memory_space<hbm>>) target_semaphore(%arg24 : memref<!tpu.dma_semaphore, #tpu.memory_space<semaphore_mem>>)
      %dma_start3A_174 = arith.constant 0 : i32
      %dma_start3A_175 = tpu.memref_slice %arg7[%add3A_98, %dma_start3A_174] : memref<320000x256xf32, #tpu.memory_space<hbm>> -> memref<80x256xf32, #tpu.memory_space<hbm>>
      %dma_start3A_176 = arith.constant 0 : i32
      %dma_start3A_177 = tpu.memref_slice %arg7[%add3A_98, %dma_start3A_176] : memref<320000x256xf32, #tpu.memory_space<hbm>> -> memref<80x256xf32, #tpu.memory_space<hbm>>
      tpu.enqueue_dma source(%arg13 : memref<80x256xf32, #tpu.memory_space<vmem>>) target(%dma_start3A_177 : memref<80x256xf32, #tpu.memory_space<hbm>>) target_semaphore(%arg25 : memref<!tpu.dma_semaphore, #tpu.memory_space<semaphore_mem>>)
      %dma_wait3A_178 = arith.constant 0 : i32
      %dma_wait3A_179 = tpu.memref_slice %arg8[%add3A_92, %dma_wait3A_178] : memref<125x80xi32, #tpu.memory_space<vmem>> -> memref<1x80xi32, #tpu.memory_space<vmem>>
      %dma_wait3A_180 = tpu.memref_squeeze %dma_wait3A_179 : memref<1x80xi32, #tpu.memory_space<vmem>> -> memref<80xi32, #tpu.memory_space<vmem>>
      %dma_wait3A_181 = arith.constant 0 : i32
      %dma_wait3A_182 = arith.constant 0 : i32
      %dma_wait3A_183 = tpu.memref_slice %arg2[%dma_wait3A_181, %dma_wait3A_182] : memref<10000x128xf32, #tpu.memory_space<hbm>> -> memref<10000x128xf32, #tpu.memory_space<hbm>>
      tpu.wait_indirect_dma semaphore(%arg20 : memref<!tpu.dma_semaphore, #tpu.memory_space<semaphore_mem>>) src(%dma_wait3A_183 : memref<10000x128xf32, #tpu.memory_space<hbm>>) dst(%arg14 : memref<80x128xf32, #tpu.memory_space<vmem>>)
      %dma_wait3A_184 = arith.constant 0 : i32
      %dma_wait3A_185 = tpu.memref_slice %arg9[%add3A_92, %dma_wait3A_184] : memref<125x80xi32, #tpu.memory_space<vmem>> -> memref<1x80xi32, #tpu.memory_space<vmem>>
      %dma_wait3A_186 = tpu.memref_squeeze %dma_wait3A_185 : memref<1x80xi32, #tpu.memory_space<vmem>> -> memref<80xi32, #tpu.memory_space<vmem>>
      %dma_wait3A_187 = arith.constant 0 : i32
      %dma_wait3A_188 = arith.constant 0 : i32
      %dma_wait3A_189 = tpu.memref_slice %arg3[%dma_wait3A_187, %dma_wait3A_188] : memref<10000x256xf32, #tpu.memory_space<hbm>> -> memref<10000x256xf32, #tpu.memory_space<hbm>>
      tpu.wait_indirect_dma semaphore(%arg21 : memref<!tpu.dma_semaphore, #tpu.memory_space<semaphore_mem>>) src(%dma_wait3A_189 : memref<10000x256xf32, #tpu.memory_space<hbm>>) dst(%arg15 : memref<80x256xf32, #tpu.memory_space<vmem>>)
      %dma_start3A_190 = arith.constant 0 : i32
      %dma_start3A_191 = tpu.memref_slice %arg6[%add3A_101, %dma_start3A_190] : memref<320000x128xf32, #tpu.memory_space<hbm>> -> memref<80x128xf32, #tpu.memory_space<hbm>>
      %dma_start3A_192 = arith.constant 0 : i32
      %dma_start3A_193 = tpu.memref_slice %arg6[%add3A_101, %dma_start3A_192] : memref<320000x128xf32, #tpu.memory_space<hbm>> -> memref<80x128xf32, #tpu.memory_space<hbm>>
      tpu.enqueue_dma source(%arg14 : memref<80x128xf32, #tpu.memory_space<vmem>>) target(%dma_start3A_193 : memref<80x128xf32, #tpu.memory_space<hbm>>) target_semaphore(%arg26 : memref<!tpu.dma_semaphore, #tpu.memory_space<semaphore_mem>>)
      %dma_start3A_194 = arith.constant 0 : i32
      %dma_start3A_195 = tpu.memref_slice %arg7[%add3A_101, %dma_start3A_194] : memref<320000x256xf32, #tpu.memory_space<hbm>> -> memref<80x256xf32, #tpu.memory_space<hbm>>
      %dma_start3A_196 = arith.constant 0 : i32
      %dma_start3A_197 = tpu.memref_slice %arg7[%add3A_101, %dma_start3A_196] : memref<320000x256xf32, #tpu.memory_space<hbm>> -> memref<80x256xf32, #tpu.memory_space<hbm>>
      tpu.enqueue_dma source(%arg15 : memref<80x256xf32, #tpu.memory_space<vmem>>) target(%dma_start3A_197 : memref<80x256xf32, #tpu.memory_space<hbm>>) target_semaphore(%arg27 : memref<!tpu.dma_semaphore, #tpu.memory_space<semaphore_mem>>)
      %dma_wait3A_198 = arith.constant 0 : i32
      %dma_wait3A_199 = tpu.memref_slice %arg6[%add3A_95, %dma_wait3A_198] : memref<320000x128xf32, #tpu.memory_space<hbm>> -> memref<80x128xf32, #tpu.memory_space<hbm>>
      %dma_wait3A_200 = arith.constant 0 : i32
      %dma_wait3A_201 = tpu.memref_slice %arg6[%add3A_95, %dma_wait3A_200] : memref<320000x128xf32, #tpu.memory_space<hbm>> -> memref<80x128xf32, #tpu.memory_space<hbm>>
      tpu.wait_dma2 semaphore(%arg22 : memref<!tpu.dma_semaphore, #tpu.memory_space<semaphore_mem>>) src(%arg10 : memref<80x128xf32, #tpu.memory_space<vmem>>) dst(%dma_wait3A_201 : memref<80x128xf32, #tpu.memory_space<hbm>>)
      %dma_wait3A_202 = arith.constant 0 : i32
      %dma_wait3A_203 = tpu.memref_slice %arg7[%add3A_95, %dma_wait3A_202] : memref<320000x256xf32, #tpu.memory_space<hbm>> -> memref<80x256xf32, #tpu.memory_space<hbm>>
      %dma_wait3A_204 = arith.constant 0 : i32
      %dma_wait3A_205 = tpu.memref_slice %arg7[%add3A_95, %dma_wait3A_204] : memref<320000x256xf32, #tpu.memory_space<hbm>> -> memref<80x256xf32, #tpu.memory_space<hbm>>
      tpu.wait_dma2 semaphore(%arg23 : memref<!tpu.dma_semaphore, #tpu.memory_space<semaphore_mem>>) src(%arg11 : memref<80x256xf32, #tpu.memory_space<vmem>>) dst(%dma_wait3A_205 : memref<80x256xf32, #tpu.memory_space<hbm>>)
      %dma_wait3A_206 = arith.constant 0 : i32
      %dma_wait3A_207 = tpu.memref_slice %arg6[%add3A_98, %dma_wait3A_206] : memref<320000x128xf32, #tpu.memory_space<hbm>> -> memref<80x128xf32, #tpu.memory_space<hbm>>
      %dma_wait3A_208 = arith.constant 0 : i32
      %dma_wait3A_209 = tpu.memref_slice %arg6[%add3A_98, %dma_wait3A_208] : memref<320000x128xf32, #tpu.memory_space<hbm>> -> memref<80x128xf32, #tpu.memory_space<hbm>>
      tpu.wait_dma2 semaphore(%arg24 : memref<!tpu.dma_semaphore, #tpu.memory_space<semaphore_mem>>) src(%arg12 : memref<80x128xf32, #tpu.memory_space<vmem>>) dst(%dma_wait3A_209 : memref<80x128xf32, #tpu.memory_space<hbm>>)
      %dma_wait3A_210 = arith.constant 0 : i32
      %dma_wait3A_211 = tpu.memref_slice %arg7[%add3A_98, %dma_wait3A_210] : memref<320000x256xf32, #tpu.memory_space<hbm>> -> memref<80x256xf32, #tpu.memory_space<hbm>>
      %dma_wait3A_212 = arith.constant 0 : i32
      %dma_wait3A_213 = tpu.memref_slice %arg7[%add3A_98, %dma_wait3A_212] : memref<320000x256xf32, #tpu.memory_space<hbm>> -> memref<80x256xf32, #tpu.memory_space<hbm>>
      tpu.wait_dma2 semaphore(%arg25 : memref<!tpu.dma_semaphore, #tpu.memory_space<semaphore_mem>>) src(%arg13 : memref<80x256xf32, #tpu.memory_space<vmem>>) dst(%dma_wait3A_213 : memref<80x256xf32, #tpu.memory_space<hbm>>)
      %dma_wait3A_214 = arith.constant 0 : i32
      %dma_wait3A_215 = tpu.memref_slice %arg6[%add3A_101, %dma_wait3A_214] : memref<320000x128xf32, #tpu.memory_space<hbm>> -> memref<80x128xf32, #tpu.memory_space<hbm>>
      %dma_wait3A_216 = arith.constant 0 : i32
      %dma_wait3A_217 = tpu.memref_slice %arg6[%add3A_101, %dma_wait3A_216] : memref<320000x128xf32, #tpu.memory_space<hbm>> -> memref<80x128xf32, #tpu.memory_space<hbm>>
      tpu.wait_dma2 semaphore(%arg26 : memref<!tpu.dma_semaphore, #tpu.memory_space<semaphore_mem>>) src(%arg14 : memref<80x128xf32, #tpu.memory_space<vmem>>) dst(%dma_wait3A_217 : memref<80x128xf32, #tpu.memory_space<hbm>>)
      %dma_wait3A_218 = arith.constant 0 : i32
      %dma_wait3A_219 = tpu.memref_slice %arg7[%add3A_101, %dma_wait3A_218] : memref<320000x256xf32, #tpu.memory_space<hbm>> -> memref<80x256xf32, #tpu.memory_space<hbm>>
      %dma_wait3A_220 = arith.constant 0 : i32
      %dma_wait3A_221 = tpu.memref_slice %arg7[%add3A_101, %dma_wait3A_220] : memref<320000x256xf32, #tpu.memory_space<hbm>> -> memref<80x256xf32, #tpu.memory_space<hbm>>
      tpu.wait_dma2 semaphore(%arg27 : memref<!tpu.dma_semaphore, #tpu.memory_space<semaphore_mem>>) src(%arg15 : memref<80x256xf32, #tpu.memory_space<vmem>>) dst(%dma_wait3A_221 : memref<80x256xf32, #tpu.memory_space<hbm>>)
    }
    %scan3A_7 = arith.constant 41 : i32
    %add3A_8 = arith.constant 9840 : i32
    %add3A_9 = arith.addi %mul3A_2, %add3A_8 : i32
    %add3A_10 = arith.constant 9920 : i32
    %add3A_11 = arith.addi %mul3A_2, %add3A_10 : i32
    %dma_start3A = arith.constant 123 : i32
    %dma_start3A_12 = arith.constant 0 : i32
    %dma_start3A_13 = tpu.memref_slice %arg8[%dma_start3A, %dma_start3A_12] : memref<125x80xi32, #tpu.memory_space<vmem>> -> memref<1x80xi32, #tpu.memory_space<vmem>>
    %dma_start3A_14 = tpu.memref_squeeze %dma_start3A_13 : memref<1x80xi32, #tpu.memory_space<vmem>> -> memref<80xi32, #tpu.memory_space<vmem>>
    %dma_start3A_15 = arith.constant 0 : i32
    %dma_start3A_16 = arith.constant 0 : i32
    %dma_start3A_17 = tpu.memref_slice %arg2[%dma_start3A_15, %dma_start3A_16] : memref<10000x128xf32, #tpu.memory_space<hbm>> -> memref<10000x128xf32, #tpu.memory_space<hbm>>
    tpu.enqueue_indirect_dma source(%dma_start3A_17 : memref<10000x128xf32, #tpu.memory_space<hbm>>) target(%arg10 : memref<80x128xf32, #tpu.memory_space<vmem>>) offsets(%dma_start3A_14 : memref<80xi32, #tpu.memory_space<vmem>>) semaphore(%arg16 : memref<!tpu.dma_semaphore, #tpu.memory_space<semaphore_mem>>)
    %dma_start3A_18 = arith.constant 123 : i32
    %dma_start3A_19 = arith.constant 0 : i32
    %dma_start3A_20 = tpu.memref_slice %arg9[%dma_start3A_18, %dma_start3A_19] : memref<125x80xi32, #tpu.memory_space<vmem>> -> memref<1x80xi32, #tpu.memory_space<vmem>>
    %dma_start3A_21 = tpu.memref_squeeze %dma_start3A_20 : memref<1x80xi32, #tpu.memory_space<vmem>> -> memref<80xi32, #tpu.memory_space<vmem>>
    %dma_start3A_22 = arith.constant 0 : i32
    %dma_start3A_23 = arith.constant 0 : i32
    %dma_start3A_24 = tpu.memref_slice %arg3[%dma_start3A_22, %dma_start3A_23] : memref<10000x256xf32, #tpu.memory_space<hbm>> -> memref<10000x256xf32, #tpu.memory_space<hbm>>
    tpu.enqueue_indirect_dma source(%dma_start3A_24 : memref<10000x256xf32, #tpu.memory_space<hbm>>) target(%arg11 : memref<80x256xf32, #tpu.memory_space<vmem>>) offsets(%dma_start3A_21 : memref<80xi32, #tpu.memory_space<vmem>>) semaphore(%arg17 : memref<!tpu.dma_semaphore, #tpu.memory_space<semaphore_mem>>)
    %dma_start3A_25 = arith.constant 124 : i32
    %dma_start3A_26 = arith.constant 0 : i32
    %dma_start3A_27 = tpu.memref_slice %arg8[%dma_start3A_25, %dma_start3A_26] : memref<125x80xi32, #tpu.memory_space<vmem>> -> memref<1x80xi32, #tpu.memory_space<vmem>>
    %dma_start3A_28 = tpu.memref_squeeze %dma_start3A_27 : memref<1x80xi32, #tpu.memory_space<vmem>> -> memref<80xi32, #tpu.memory_space<vmem>>
    %dma_start3A_29 = arith.constant 0 : i32
    %dma_start3A_30 = arith.constant 0 : i32
    %dma_start3A_31 = tpu.memref_slice %arg2[%dma_start3A_29, %dma_start3A_30] : memref<10000x128xf32, #tpu.memory_space<hbm>> -> memref<10000x128xf32, #tpu.memory_space<hbm>>
    tpu.enqueue_indirect_dma source(%dma_start3A_31 : memref<10000x128xf32, #tpu.memory_space<hbm>>) target(%arg12 : memref<80x128xf32, #tpu.memory_space<vmem>>) offsets(%dma_start3A_28 : memref<80xi32, #tpu.memory_space<vmem>>) semaphore(%arg18 : memref<!tpu.dma_semaphore, #tpu.memory_space<semaphore_mem>>)
    %dma_start3A_32 = arith.constant 124 : i32
    %dma_start3A_33 = arith.constant 0 : i32
    %dma_start3A_34 = tpu.memref_slice %arg9[%dma_start3A_32, %dma_start3A_33] : memref<125x80xi32, #tpu.memory_space<vmem>> -> memref<1x80xi32, #tpu.memory_space<vmem>>
    %dma_start3A_35 = tpu.memref_squeeze %dma_start3A_34 : memref<1x80xi32, #tpu.memory_space<vmem>> -> memref<80xi32, #tpu.memory_space<vmem>>
    %dma_start3A_36 = arith.constant 0 : i32
    %dma_start3A_37 = arith.constant 0 : i32
    %dma_start3A_38 = tpu.memref_slice %arg3[%dma_start3A_36, %dma_start3A_37] : memref<10000x256xf32, #tpu.memory_space<hbm>> -> memref<10000x256xf32, #tpu.memory_space<hbm>>
    tpu.enqueue_indirect_dma source(%dma_start3A_38 : memref<10000x256xf32, #tpu.memory_space<hbm>>) target(%arg13 : memref<80x256xf32, #tpu.memory_space<vmem>>) offsets(%dma_start3A_35 : memref<80xi32, #tpu.memory_space<vmem>>) semaphore(%arg19 : memref<!tpu.dma_semaphore, #tpu.memory_space<semaphore_mem>>)
    %dma_wait3A = arith.constant 123 : i32
    %dma_wait3A_39 = arith.constant 0 : i32
    %dma_wait3A_40 = tpu.memref_slice %arg8[%dma_wait3A, %dma_wait3A_39] : memref<125x80xi32, #tpu.memory_space<vmem>> -> memref<1x80xi32, #tpu.memory_space<vmem>>
    %dma_wait3A_41 = tpu.memref_squeeze %dma_wait3A_40 : memref<1x80xi32, #tpu.memory_space<vmem>> -> memref<80xi32, #tpu.memory_space<vmem>>
    %dma_wait3A_42 = arith.constant 0 : i32
    %dma_wait3A_43 = arith.constant 0 : i32
    %dma_wait3A_44 = tpu.memref_slice %arg2[%dma_wait3A_42, %dma_wait3A_43] : memref<10000x128xf32, #tpu.memory_space<hbm>> -> memref<10000x128xf32, #tpu.memory_space<hbm>>
    tpu.wait_indirect_dma semaphore(%arg16 : memref<!tpu.dma_semaphore, #tpu.memory_space<semaphore_mem>>) src(%dma_wait3A_44 : memref<10000x128xf32, #tpu.memory_space<hbm>>) dst(%arg10 : memref<80x128xf32, #tpu.memory_space<vmem>>)
    %dma_wait3A_45 = arith.constant 123 : i32
    %dma_wait3A_46 = arith.constant 0 : i32
    %dma_wait3A_47 = tpu.memref_slice %arg9[%dma_wait3A_45, %dma_wait3A_46] : memref<125x80xi32, #tpu.memory_space<vmem>> -> memref<1x80xi32, #tpu.memory_space<vmem>>
    %dma_wait3A_48 = tpu.memref_squeeze %dma_wait3A_47 : memref<1x80xi32, #tpu.memory_space<vmem>> -> memref<80xi32, #tpu.memory_space<vmem>>
    %dma_wait3A_49 = arith.constant 0 : i32
    %dma_wait3A_50 = arith.constant 0 : i32
    %dma_wait3A_51 = tpu.memref_slice %arg3[%dma_wait3A_49, %dma_wait3A_50] : memref<10000x256xf32, #tpu.memory_space<hbm>> -> memref<10000x256xf32, #tpu.memory_space<hbm>>
    tpu.wait_indirect_dma semaphore(%arg17 : memref<!tpu.dma_semaphore, #tpu.memory_space<semaphore_mem>>) src(%dma_wait3A_51 : memref<10000x256xf32, #tpu.memory_space<hbm>>) dst(%arg11 : memref<80x256xf32, #tpu.memory_space<vmem>>)
    %dma_start3A_52 = arith.constant 0 : i32
    %dma_start3A_53 = tpu.memref_slice %arg6[%add3A_9, %dma_start3A_52] : memref<320000x128xf32, #tpu.memory_space<hbm>> -> memref<80x128xf32, #tpu.memory_space<hbm>>
    %dma_start3A_54 = arith.constant 0 : i32
    %dma_start3A_55 = tpu.memref_slice %arg6[%add3A_9, %dma_start3A_54] : memref<320000x128xf32, #tpu.memory_space<hbm>> -> memref<80x128xf32, #tpu.memory_space<hbm>>
    tpu.enqueue_dma source(%arg10 : memref<80x128xf32, #tpu.memory_space<vmem>>) target(%dma_start3A_55 : memref<80x128xf32, #tpu.memory_space<hbm>>) target_semaphore(%arg22 : memref<!tpu.dma_semaphore, #tpu.memory_space<semaphore_mem>>)
    %dma_start3A_56 = arith.constant 0 : i32
    %dma_start3A_57 = tpu.memref_slice %arg7[%add3A_9, %dma_start3A_56] : memref<320000x256xf32, #tpu.memory_space<hbm>> -> memref<80x256xf32, #tpu.memory_space<hbm>>
    %dma_start3A_58 = arith.constant 0 : i32
    %dma_start3A_59 = tpu.memref_slice %arg7[%add3A_9, %dma_start3A_58] : memref<320000x256xf32, #tpu.memory_space<hbm>> -> memref<80x256xf32, #tpu.memory_space<hbm>>
    tpu.enqueue_dma source(%arg11 : memref<80x256xf32, #tpu.memory_space<vmem>>) target(%dma_start3A_59 : memref<80x256xf32, #tpu.memory_space<hbm>>) target_semaphore(%arg23 : memref<!tpu.dma_semaphore, #tpu.memory_space<semaphore_mem>>)
    %dma_wait3A_60 = arith.constant 124 : i32
    %dma_wait3A_61 = arith.constant 0 : i32
    %dma_wait3A_62 = tpu.memref_slice %arg8[%dma_wait3A_60, %dma_wait3A_61] : memref<125x80xi32, #tpu.memory_space<vmem>> -> memref<1x80xi32, #tpu.memory_space<vmem>>
    %dma_wait3A_63 = tpu.memref_squeeze %dma_wait3A_62 : memref<1x80xi32, #tpu.memory_space<vmem>> -> memref<80xi32, #tpu.memory_space<vmem>>
    %dma_wait3A_64 = arith.constant 0 : i32
    %dma_wait3A_65 = arith.constant 0 : i32
    %dma_wait3A_66 = tpu.memref_slice %arg2[%dma_wait3A_64, %dma_wait3A_65] : memref<10000x128xf32, #tpu.memory_space<hbm>> -> memref<10000x128xf32, #tpu.memory_space<hbm>>
    tpu.wait_indirect_dma semaphore(%arg18 : memref<!tpu.dma_semaphore, #tpu.memory_space<semaphore_mem>>) src(%dma_wait3A_66 : memref<10000x128xf32, #tpu.memory_space<hbm>>) dst(%arg12 : memref<80x128xf32, #tpu.memory_space<vmem>>)
    %dma_wait3A_67 = arith.constant 124 : i32
    %dma_wait3A_68 = arith.constant 0 : i32
    %dma_wait3A_69 = tpu.memref_slice %arg9[%dma_wait3A_67, %dma_wait3A_68] : memref<125x80xi32, #tpu.memory_space<vmem>> -> memref<1x80xi32, #tpu.memory_space<vmem>>
    %dma_wait3A_70 = tpu.memref_squeeze %dma_wait3A_69 : memref<1x80xi32, #tpu.memory_space<vmem>> -> memref<80xi32, #tpu.memory_space<vmem>>
    %dma_wait3A_71 = arith.constant 0 : i32
    %dma_wait3A_72 = arith.constant 0 : i32
    %dma_wait3A_73 = tpu.memref_slice %arg3[%dma_wait3A_71, %dma_wait3A_72] : memref<10000x256xf32, #tpu.memory_space<hbm>> -> memref<10000x256xf32, #tpu.memory_space<hbm>>
    tpu.wait_indirect_dma semaphore(%arg19 : memref<!tpu.dma_semaphore, #tpu.memory_space<semaphore_mem>>) src(%dma_wait3A_73 : memref<10000x256xf32, #tpu.memory_space<hbm>>) dst(%arg13 : memref<80x256xf32, #tpu.memory_space<vmem>>)
    "tpu.region"() ({
      %run_scoped3A = tpu.sem_alloc : memref<!tpu.dma_semaphore, #tpu.memory_space<semaphore_mem>>
      %dma_start3A_82 = arith.constant 0 : i32
      %dma_start3A_83 = tpu.memref_slice %arg6[%add3A_11, %dma_start3A_82] : memref<320000x128xf32, #tpu.memory_space<hbm>> -> memref<80x128xf32, #tpu.memory_space<hbm>>
      %dma_start3A_84 = arith.constant 0 : i32
      %dma_start3A_85 = tpu.memref_slice %arg6[%add3A_11, %dma_start3A_84] : memref<320000x128xf32, #tpu.memory_space<hbm>> -> memref<80x128xf32, #tpu.memory_space<hbm>>
      tpu.enqueue_dma source(%arg12 : memref<80x128xf32, #tpu.memory_space<vmem>>) target(%dma_start3A_85 : memref<80x128xf32, #tpu.memory_space<hbm>>) target_semaphore(%run_scoped3A : memref<!tpu.dma_semaphore, #tpu.memory_space<semaphore_mem>>)
      %dma_wait3A_86 = arith.constant 0 : i32
      %dma_wait3A_87 = tpu.memref_slice %arg6[%add3A_11, %dma_wait3A_86] : memref<320000x128xf32, #tpu.memory_space<hbm>> -> memref<80x128xf32, #tpu.memory_space<hbm>>
      %dma_wait3A_88 = arith.constant 0 : i32
      %dma_wait3A_89 = tpu.memref_slice %arg6[%add3A_11, %dma_wait3A_88] : memref<320000x128xf32, #tpu.memory_space<hbm>> -> memref<80x128xf32, #tpu.memory_space<hbm>>
      tpu.wait_dma2 semaphore(%run_scoped3A : memref<!tpu.dma_semaphore, #tpu.memory_space<semaphore_mem>>) src(%arg12 : memref<80x128xf32, #tpu.memory_space<vmem>>) dst(%dma_wait3A_89 : memref<80x128xf32, #tpu.memory_space<hbm>>)
      tpu.yield
    }) : () -> ()
    "tpu.region"() ({
      %run_scoped3A = tpu.sem_alloc : memref<!tpu.dma_semaphore, #tpu.memory_space<semaphore_mem>>
      %dma_start3A_82 = arith.constant 0 : i32
      %dma_start3A_83 = tpu.memref_slice %arg7[%add3A_11, %dma_start3A_82] : memref<320000x256xf32, #tpu.memory_space<hbm>> -> memref<80x256xf32, #tpu.memory_space<hbm>>
      %dma_start3A_84 = arith.constant 0 : i32
      %dma_start3A_85 = tpu.memref_slice %arg7[%add3A_11, %dma_start3A_84] : memref<320000x256xf32, #tpu.memory_space<hbm>> -> memref<80x256xf32, #tpu.memory_space<hbm>>
      tpu.enqueue_dma source(%arg13 : memref<80x256xf32, #tpu.memory_space<vmem>>) target(%dma_start3A_85 : memref<80x256xf32, #tpu.memory_space<hbm>>) target_semaphore(%run_scoped3A : memref<!tpu.dma_semaphore, #tpu.memory_space<semaphore_mem>>)
      %dma_wait3A_86 = arith.constant 0 : i32
      %dma_wait3A_87 = tpu.memref_slice %arg7[%add3A_11, %dma_wait3A_86] : memref<320000x256xf32, #tpu.memory_space<hbm>> -> memref<80x256xf32, #tpu.memory_space<hbm>>
      %dma_wait3A_88 = arith.constant 0 : i32
      %dma_wait3A_89 = tpu.memref_slice %arg7[%add3A_11, %dma_wait3A_88] : memref<320000x256xf32, #tpu.memory_space<hbm>> -> memref<80x256xf32, #tpu.memory_space<hbm>>
      tpu.wait_dma2 semaphore(%run_scoped3A : memref<!tpu.dma_semaphore, #tpu.memory_space<semaphore_mem>>) src(%arg13 : memref<80x256xf32, #tpu.memory_space<vmem>>) dst(%dma_wait3A_89 : memref<80x256xf32, #tpu.memory_space<hbm>>)
      tpu.yield
    }) : () -> ()
    %dma_wait3A_74 = arith.constant 0 : i32
    %dma_wait3A_75 = tpu.memref_slice %arg6[%add3A_9, %dma_wait3A_74] : memref<320000x128xf32, #tpu.memory_space<hbm>> -> memref<80x128xf32, #tpu.memory_space<hbm>>
    %dma_wait3A_76 = arith.constant 0 : i32
    %dma_wait3A_77 = tpu.memref_slice %arg6[%add3A_9, %dma_wait3A_76] : memref<320000x128xf32, #tpu.memory_space<hbm>> -> memref<80x128xf32, #tpu.memory_space<hbm>>
    tpu.wait_dma2 semaphore(%arg22 : memref<!tpu.dma_semaphore, #tpu.memory_space<semaphore_mem>>) src(%arg10 : memref<80x128xf32, #tpu.memory_space<vmem>>) dst(%dma_wait3A_77 : memref<80x128xf32, #tpu.memory_space<hbm>>)
    %dma_wait3A_78 = arith.constant 0 : i32
    %dma_wait3A_79 = tpu.memref_slice %arg7[%add3A_9, %dma_wait3A_78] : memref<320000x256xf32, #tpu.memory_space<hbm>> -> memref<80x256xf32, #tpu.memory_space<hbm>>
    %dma_wait3A_80 = arith.constant 0 : i32
    %dma_wait3A_81 = tpu.memref_slice %arg7[%add3A_9, %dma_wait3A_80] : memref<320000x256xf32, #tpu.memory_space<hbm>> -> memref<80x256xf32, #tpu.memory_space<hbm>>
    tpu.wait_dma2 semaphore(%arg23 : memref<!tpu.dma_semaphore, #tpu.memory_space<semaphore_mem>>) src(%arg11 : memref<80x256xf32, #tpu.memory_space<vmem>>) dst(%dma_wait3A_81 : memref<80x256xf32, #tpu.memory_space<hbm>>)
    return
  }
}

#map = affine_map<(d0, d1) -> (0, 0)>
#map1 = affine_map<(d0, d1) -> (0)>
module attributes {stable_mosaic.version = 14 : i64} {
  func.func @_sc_scatter_body(%arg0: i32, %arg1: i32, %arg2: memref<320000x128xf32, #tpu.memory_space<hbm>>, %arg3: memref<320000x128xf32, #tpu.memory_space<hbm>>, %arg4: memref<320000xi32, #tpu.memory_space<hbm>>, %arg5: memref<64x128xf32, #tpu.memory_space<hbm>>, %arg6: memref<20480x128xf32, #tpu.memory_space<hbm>>, %arg7: memref<80xi32, #tpu.memory_space<vmem>>, %arg8: memref<80xi32, #tpu.memory_space<vmem>>, %arg9: memref<80x128xf32, #tpu.memory_space<vmem>>, %arg10: memref<80x128xf32, #tpu.memory_space<vmem>>, %arg11: memref<64x128xf32, #tpu.memory_space<vmem>>, %arg12: memref<10240x128xf32, #tpu.memory_space<vmem_shared>>, %arg13: memref<!tpu.dma_semaphore, #tpu.memory_space<semaphore_mem>>, %arg14: memref<!tpu.dma_semaphore, #tpu.memory_space<semaphore_mem>>, %arg15: memref<!tpu.dma_semaphore, #tpu.memory_space<semaphore_mem>>, %arg16: memref<!tpu.dma_semaphore, #tpu.memory_space<semaphore_mem>>, %arg17: memref<!tpu.dma_semaphore, #tpu.memory_space<semaphore_mem>>, %arg18: memref<!tpu.dma_semaphore, #tpu.memory_space<semaphore_mem>>) attributes {dimension_semantics = [#tpu.dimension_semantics<core_parallel>, #tpu.dimension_semantics<subcore_parallel>], iteration_bounds = array<i64: 2, 16>, scalar_prefetch = 0 : i64, scratch_operands = 12 : i64, tpu.core_type = #tpu.core_type<sc_vector_subcore>, window_params = [{transform_indices = #map}, {transform_indices = #map}, {transform_indices = #map1}, {transform_indices = #map}, {transform_indices = #map}]} {
    %mul3A = arith.constant 20000 : i32
    %mul3A_0 = arith.muli %arg1, %mul3A : i32
    "tpu.region"() ({
      %run_scoped3A = tpu.sem_alloc : memref<!tpu.dma_semaphore, #tpu.memory_space<semaphore_mem>>
      tpu.enqueue_dma source(%arg5 : memref<64x128xf32, #tpu.memory_space<hbm>>) target(%arg11 : memref<64x128xf32, #tpu.memory_space<vmem>>) target_semaphore(%run_scoped3A : memref<!tpu.dma_semaphore, #tpu.memory_space<semaphore_mem>>)
      tpu.wait_dma2 semaphore(%run_scoped3A : memref<!tpu.dma_semaphore, #tpu.memory_space<semaphore_mem>>) src(%arg5 : memref<64x128xf32, #tpu.memory_space<hbm>>) dst(%arg11 : memref<64x128xf32, #tpu.memory_space<vmem>>)
      tpu.yield
    }) : () -> ()
    %scan3A = arith.constant 0 : i32
    %scan3A_1 = arith.constant 0 : i32
    %scan3A_2 = arith.constant 10 : i32
    %scan3A_3 = arith.addi %scan3A_1, %scan3A_2 : i32
    %scan3A_4 = arith.constant 1 : i32
    scf.for %scan3A_25 = %scan3A_1 to %scan3A_3 step %scan3A_4  : i32 {
      %mul3A_26 = arith.constant 640 : i32
      %mul3A_27 = arith.muli %arg1, %mul3A_26 : i32
      %mul3A_28 = arith.constant 64 : i32
      %mul3A_29 = arith.muli %scan3A_25, %mul3A_28 : i32
      %add3A = arith.addi %mul3A_27, %mul3A_29 : i32
      %dma_start3A = arith.constant 0 : i32
      %dma_start3A_30 = tpu.memref_slice %arg12[%add3A, %dma_start3A] : memref<10240x128xf32, #tpu.memory_space<vmem_shared>> -> memref<64x128xf32, #tpu.memory_space<vmem_shared>>
      %dma_start3A_31 = arith.constant 0 : i32
      %dma_start3A_32 = tpu.memref_slice %arg12[%add3A, %dma_start3A_31] : memref<10240x128xf32, #tpu.memory_space<vmem_shared>> -> memref<64x128xf32, #tpu.memory_space<vmem_shared>>
      tpu.enqueue_dma source(%arg11 : memref<64x128xf32, #tpu.memory_space<vmem>>) target(%dma_start3A_32 : memref<64x128xf32, #tpu.memory_space<vmem_shared>>) target_semaphore(%arg13 : memref<!tpu.dma_semaphore, #tpu.memory_space<semaphore_mem>>)
    }
    %scan3A_5 = arith.constant 10 : i32
    %scan3A_6 = arith.constant 0 : i32
    %scan3A_7 = arith.constant 0 : i32
    %scan3A_8 = arith.constant 10 : i32
    %scan3A_9 = arith.addi %scan3A_7, %scan3A_8 : i32
    %scan3A_10 = arith.constant 1 : i32
    scf.for %scan3A_25 = %scan3A_7 to %scan3A_9 step %scan3A_10  : i32 {
      %mul3A_26 = arith.constant 640 : i32
      %mul3A_27 = arith.muli %arg1, %mul3A_26 : i32
      %dma_wait3A = arith.constant 0 : i32
      %dma_wait3A_28 = tpu.memref_slice %arg12[%mul3A_27, %dma_wait3A] : memref<10240x128xf32, #tpu.memory_space<vmem_shared>> -> memref<64x128xf32, #tpu.memory_space<vmem_shared>>
      %dma_wait3A_29 = arith.constant 0 : i32
      %dma_wait3A_30 = tpu.memref_slice %arg12[%mul3A_27, %dma_wait3A_29] : memref<10240x128xf32, #tpu.memory_space<vmem_shared>> -> memref<64x128xf32, #tpu.memory_space<vmem_shared>>
      tpu.wait_dma2 semaphore(%arg13 : memref<!tpu.dma_semaphore, #tpu.memory_space<semaphore_mem>>) src(%arg11 : memref<64x128xf32, #tpu.memory_space<vmem>>) dst(%dma_wait3A_30 : memref<64x128xf32, #tpu.memory_space<vmem_shared>>)
    }
    %scan3A_11 = arith.constant 10 : i32
    %barrier3A = arith.constant 0 : index
    tpu.barrier barrier_id(%barrier3A)
    %scan3A_12 = arith.constant 0 : i32
    %scan3A_13 = arith.constant 0 : i32
    %scan3A_14 = arith.constant 125 : i32
    %scan3A_15 = arith.addi %scan3A_13, %scan3A_14 : i32
    %scan3A_16 = arith.constant 1 : i32
    scf.for %scan3A_25 = %scan3A_13 to %scan3A_15 step %scan3A_16  : i32 {
      %mul3A_26 = arith.constant 2 : i32
      %mul3A_27 = arith.muli %mul3A_26, %scan3A_25 : i32
      %mul3A_28 = arith.constant 80 : i32
      %mul3A_29 = arith.muli %mul3A_27, %mul3A_28 : i32
      %add3A = arith.addi %mul3A_0, %mul3A_29 : i32
      %mul3A_30 = arith.constant 2 : i32
      %mul3A_31 = arith.muli %mul3A_30, %scan3A_25 : i32
      %add3A_32 = arith.constant 1 : i32
      %add3A_33 = arith.addi %mul3A_31, %add3A_32 : i32
      %mul3A_34 = arith.constant 80 : i32
      %mul3A_35 = arith.muli %add3A_33, %mul3A_34 : i32
      %add3A_36 = arith.addi %mul3A_0, %mul3A_35 : i32
      %dma_start3A = tpu.memref_slice %arg4[%add3A] : memref<320000xi32, #tpu.memory_space<hbm>> -> memref<80xi32, #tpu.memory_space<hbm>>
      %dma_start3A_37 = tpu.memref_slice %arg4[%add3A] : memref<320000xi32, #tpu.memory_space<hbm>> -> memref<80xi32, #tpu.memory_space<hbm>>
      tpu.enqueue_dma source(%dma_start3A_37 : memref<80xi32, #tpu.memory_space<hbm>>) target(%arg7 : memref<80xi32, #tpu.memory_space<vmem>>) target_semaphore(%arg13 : memref<!tpu.dma_semaphore, #tpu.memory_space<semaphore_mem>>)
      %dma_start3A_38 = tpu.memref_slice %arg4[%add3A_36] : memref<320000xi32, #tpu.memory_space<hbm>> -> memref<80xi32, #tpu.memory_space<hbm>>
      %dma_start3A_39 = tpu.memref_slice %arg4[%add3A_36] : memref<320000xi32, #tpu.memory_space<hbm>> -> memref<80xi32, #tpu.memory_space<hbm>>
      tpu.enqueue_dma source(%dma_start3A_39 : memref<80xi32, #tpu.memory_space<hbm>>) target(%arg8 : memref<80xi32, #tpu.memory_space<vmem>>) target_semaphore(%arg14 : memref<!tpu.dma_semaphore, #tpu.memory_space<semaphore_mem>>)
      %eq3A = arith.constant 0 : i32
      %eq3A_40 = arith.cmpi eq, %arg0, %eq3A : i32
      %convert_element_type3A = arith.extui %eq3A_40 : i1 to i32
      %cond3A = arith.constant 0 : i32
      %cond3A_41 = arith.cmpi ne, %convert_element_type3A, %cond3A : i32
      scf.if %cond3A_41 {
        %dma_start3A_70 = arith.constant 0 : i32
        %dma_start3A_71 = tpu.memref_slice %arg2[%add3A, %dma_start3A_70] : memref<320000x128xf32, #tpu.memory_space<hbm>> -> memref<80x128xf32, #tpu.memory_space<hbm>>
        %dma_start3A_72 = arith.constant 0 : i32
        %dma_start3A_73 = tpu.memref_slice %arg2[%add3A, %dma_start3A_72] : memref<320000x128xf32, #tpu.memory_space<hbm>> -> memref<80x128xf32, #tpu.memory_space<hbm>>
        tpu.enqueue_dma source(%dma_start3A_73 : memref<80x128xf32, #tpu.memory_space<hbm>>) target(%arg9 : memref<80x128xf32, #tpu.memory_space<vmem>>) target_semaphore(%arg15 : memref<!tpu.dma_semaphore, #tpu.memory_space<semaphore_mem>>)
        %dma_start3A_74 = arith.constant 0 : i32
        %dma_start3A_75 = tpu.memref_slice %arg2[%add3A_36, %dma_start3A_74] : memref<320000x128xf32, #tpu.memory_space<hbm>> -> memref<80x128xf32, #tpu.memory_space<hbm>>
        %dma_start3A_76 = arith.constant 0 : i32
        %dma_start3A_77 = tpu.memref_slice %arg2[%add3A_36, %dma_start3A_76] : memref<320000x128xf32, #tpu.memory_space<hbm>> -> memref<80x128xf32, #tpu.memory_space<hbm>>
        tpu.enqueue_dma source(%dma_start3A_77 : memref<80x128xf32, #tpu.memory_space<hbm>>) target(%arg10 : memref<80x128xf32, #tpu.memory_space<vmem>>) target_semaphore(%arg16 : memref<!tpu.dma_semaphore, #tpu.memory_space<semaphore_mem>>)
      } else {
      }
      %eq3A_42 = arith.constant 1 : i32
      %eq3A_43 = arith.cmpi eq, %arg0, %eq3A_42 : i32
      %convert_element_type3A_44 = arith.extui %eq3A_43 : i1 to i32
      %cond3A_45 = arith.constant 0 : i32
      %cond3A_46 = arith.cmpi ne, %convert_element_type3A_44, %cond3A_45 : i32
      scf.if %cond3A_46 {
        %dma_start3A_70 = arith.constant 0 : i32
        %dma_start3A_71 = tpu.memref_slice %arg3[%add3A, %dma_start3A_70] : memref<320000x128xf32, #tpu.memory_space<hbm>> -> memref<80x128xf32, #tpu.memory_space<hbm>>
        %dma_start3A_72 = arith.constant 0 : i32
        %dma_start3A_73 = tpu.memref_slice %arg3[%add3A, %dma_start3A_72] : memref<320000x128xf32, #tpu.memory_space<hbm>> -> memref<80x128xf32, #tpu.memory_space<hbm>>
        tpu.enqueue_dma source(%dma_start3A_73 : memref<80x128xf32, #tpu.memory_space<hbm>>) target(%arg9 : memref<80x128xf32, #tpu.memory_space<vmem>>) target_semaphore(%arg15 : memref<!tpu.dma_semaphore, #tpu.memory_space<semaphore_mem>>)
        %dma_start3A_74 = arith.constant 0 : i32
        %dma_start3A_75 = tpu.memref_slice %arg3[%add3A_36, %dma_start3A_74] : memref<320000x128xf32, #tpu.memory_space<hbm>> -> memref<80x128xf32, #tpu.memory_space<hbm>>
        %dma_start3A_76 = arith.constant 0 : i32
        %dma_start3A_77 = tpu.memref_slice %arg3[%add3A_36, %dma_start3A_76] : memref<320000x128xf32, #tpu.memory_space<hbm>> -> memref<80x128xf32, #tpu.memory_space<hbm>>
        tpu.enqueue_dma source(%dma_start3A_77 : memref<80x128xf32, #tpu.memory_space<hbm>>) target(%arg10 : memref<80x128xf32, #tpu.memory_space<vmem>>) target_semaphore(%arg16 : memref<!tpu.dma_semaphore, #tpu.memory_space<semaphore_mem>>)
      } else {
      }
      %dma_wait3A = tpu.memref_slice %arg4[%add3A] : memref<320000xi32, #tpu.memory_space<hbm>> -> memref<80xi32, #tpu.memory_space<hbm>>
      %dma_wait3A_47 = tpu.memref_slice %arg4[%add3A] : memref<320000xi32, #tpu.memory_space<hbm>> -> memref<80xi32, #tpu.memory_space<hbm>>
      tpu.wait_dma2 semaphore(%arg13 : memref<!tpu.dma_semaphore, #tpu.memory_space<semaphore_mem>>) src(%dma_wait3A_47 : memref<80xi32, #tpu.memory_space<hbm>>) dst(%arg7 : memref<80xi32, #tpu.memory_space<vmem>>)
      %dma_wait3A_48 = arith.constant 0 : i32
      %dma_wait3A_49 = tpu.memref_slice %arg2[%add3A, %dma_wait3A_48] : memref<320000x128xf32, #tpu.memory_space<hbm>> -> memref<80x128xf32, #tpu.memory_space<hbm>>
      %dma_wait3A_50 = arith.constant 0 : i32
      %dma_wait3A_51 = tpu.memref_slice %arg2[%add3A, %dma_wait3A_50] : memref<320000x128xf32, #tpu.memory_space<hbm>> -> memref<80x128xf32, #tpu.memory_space<hbm>>
      tpu.wait_dma2 semaphore(%arg15 : memref<!tpu.dma_semaphore, #tpu.memory_space<semaphore_mem>>) src(%dma_wait3A_51 : memref<80x128xf32, #tpu.memory_space<hbm>>) dst(%arg9 : memref<80x128xf32, #tpu.memory_space<vmem>>)
      %dma_start3A_52 = arith.constant 0 : i32
      %dma_start3A_53 = arith.constant 0 : i32
      %dma_start3A_54 = tpu.memref_slice %arg12[%dma_start3A_52, %dma_start3A_53] : memref<10240x128xf32, #tpu.memory_space<vmem_shared>> -> memref<10240x128xf32, #tpu.memory_space<vmem_shared>>
      tpu.enqueue_indirect_dma source(%arg9 : memref<80x128xf32, #tpu.memory_space<vmem>>) target(%dma_start3A_54 : memref<10240x128xf32, #tpu.memory_space<vmem_shared>>) offsets(%arg7 : memref<80xi32, #tpu.memory_space<vmem>>) semaphore(%arg17 : memref<!tpu.dma_semaphore, #tpu.memory_space<semaphore_mem>>) {add = true}
      %dma_wait3A_55 = tpu.memref_slice %arg4[%add3A_36] : memref<320000xi32, #tpu.memory_space<hbm>> -> memref<80xi32, #tpu.memory_space<hbm>>
      %dma_wait3A_56 = tpu.memref_slice %arg4[%add3A_36] : memref<320000xi32, #tpu.memory_space<hbm>> -> memref<80xi32, #tpu.memory_space<hbm>>
      tpu.wait_dma2 semaphore(%arg14 : memref<!tpu.dma_semaphore, #tpu.memory_space<semaphore_mem>>) src(%dma_wait3A_56 : memref<80xi32, #tpu.memory_space<hbm>>) dst(%arg8 : memref<80xi32, #tpu.memory_space<vmem>>)
      %dma_wait3A_57 = arith.constant 0 : i32
      %dma_wait3A_58 = tpu.memref_slice %arg2[%add3A_36, %dma_wait3A_57] : memref<320000x128xf32, #tpu.memory_space<hbm>> -> memref<80x128xf32, #tpu.memory_space<hbm>>
      %dma_wait3A_59 = arith.constant 0 : i32
      %dma_wait3A_60 = tpu.memref_slice %arg2[%add3A_36, %dma_wait3A_59] : memref<320000x128xf32, #tpu.memory_space<hbm>> -> memref<80x128xf32, #tpu.memory_space<hbm>>
      tpu.wait_dma2 semaphore(%arg16 : memref<!tpu.dma_semaphore, #tpu.memory_space<semaphore_mem>>) src(%dma_wait3A_60 : memref<80x128xf32, #tpu.memory_space<hbm>>) dst(%arg10 : memref<80x128xf32, #tpu.memory_space<vmem>>)
      %dma_start3A_61 = arith.constant 0 : i32
      %dma_start3A_62 = arith.constant 0 : i32
      %dma_start3A_63 = tpu.memref_slice %arg12[%dma_start3A_61, %dma_start3A_62] : memref<10240x128xf32, #tpu.memory_space<vmem_shared>> -> memref<10240x128xf32, #tpu.memory_space<vmem_shared>>
      tpu.enqueue_indirect_dma source(%arg10 : memref<80x128xf32, #tpu.memory_space<vmem>>) target(%dma_start3A_63 : memref<10240x128xf32, #tpu.memory_space<vmem_shared>>) offsets(%arg8 : memref<80xi32, #tpu.memory_space<vmem>>) semaphore(%arg18 : memref<!tpu.dma_semaphore, #tpu.memory_space<semaphore_mem>>) {add = true}
      %dma_wait3A_64 = arith.constant 0 : i32
      %dma_wait3A_65 = arith.constant 0 : i32
      %dma_wait3A_66 = tpu.memref_slice %arg12[%dma_wait3A_64, %dma_wait3A_65] : memref<10240x128xf32, #tpu.memory_space<vmem_shared>> -> memref<10240x128xf32, #tpu.memory_space<vmem_shared>>
      tpu.wait_indirect_dma semaphore(%arg17 : memref<!tpu.dma_semaphore, #tpu.memory_space<semaphore_mem>>) src(%arg9 : memref<80x128xf32, #tpu.memory_space<vmem>>) dst(%dma_wait3A_66 : memref<10240x128xf32, #tpu.memory_space<vmem_shared>>)
      %dma_wait3A_67 = arith.constant 0 : i32
      %dma_wait3A_68 = arith.constant 0 : i32
      %dma_wait3A_69 = tpu.memref_slice %arg12[%dma_wait3A_67, %dma_wait3A_68] : memref<10240x128xf32, #tpu.memory_space<vmem_shared>> -> memref<10240x128xf32, #tpu.memory_space<vmem_shared>>
      tpu.wait_indirect_dma semaphore(%arg18 : memref<!tpu.dma_semaphore, #tpu.memory_space<semaphore_mem>>) src(%arg10 : memref<80x128xf32, #tpu.memory_space<vmem>>) dst(%dma_wait3A_69 : memref<10240x128xf32, #tpu.memory_space<vmem_shared>>)
    }
    %scan3A_17 = arith.constant 125 : i32
    %barrier3A_18 = arith.constant 0 : index
    tpu.barrier barrier_id(%barrier3A_18)
    %scan3A_19 = arith.constant 0 : i32
    %scan3A_20 = arith.constant 0 : i32
    %scan3A_21 = arith.constant 4 : i32
    %scan3A_22 = arith.addi %scan3A_20, %scan3A_21 : i32
    %scan3A_23 = arith.constant 1 : i32
    scf.for %scan3A_25 = %scan3A_20 to %scan3A_22 step %scan3A_23  : i32 {
      %mul3A_26 = arith.constant 640 : i32
      %mul3A_27 = arith.muli %arg1, %mul3A_26 : i32
      %mul3A_28 = arith.constant 2 : i32
      %mul3A_29 = arith.muli %mul3A_28, %scan3A_25 : i32
      %mul3A_30 = arith.constant 80 : i32
      %mul3A_31 = arith.muli %mul3A_29, %mul3A_30 : i32
      %add3A = arith.addi %mul3A_27, %mul3A_31 : i32
      %mul3A_32 = arith.constant 640 : i32
      %mul3A_33 = arith.muli %arg1, %mul3A_32 : i32
      %mul3A_34 = arith.constant 2 : i32
      %mul3A_35 = arith.muli %mul3A_34, %scan3A_25 : i32
      %add3A_36 = arith.constant 1 : i32
      %add3A_37 = arith.addi %mul3A_35, %add3A_36 : i32
      %mul3A_38 = arith.constant 80 : i32
      %mul3A_39 = arith.muli %add3A_37, %mul3A_38 : i32
      %add3A_40 = arith.addi %mul3A_33, %mul3A_39 : i32
      %dma_start3A = arith.constant 0 : i32
      %dma_start3A_41 = tpu.memref_slice %arg12[%add3A, %dma_start3A] : memref<10240x128xf32, #tpu.memory_space<vmem_shared>> -> memref<80x128xf32, #tpu.memory_space<vmem_shared>>
      %dma_start3A_42 = arith.constant 0 : i32
      %dma_start3A_43 = tpu.memref_slice %arg12[%add3A, %dma_start3A_42] : memref<10240x128xf32, #tpu.memory_space<vmem_shared>> -> memref<80x128xf32, #tpu.memory_space<vmem_shared>>
      tpu.enqueue_dma source(%dma_start3A_43 : memref<80x128xf32, #tpu.memory_space<vmem_shared>>) target(%arg9 : memref<80x128xf32, #tpu.memory_space<vmem>>) target_semaphore(%arg15 : memref<!tpu.dma_semaphore, #tpu.memory_space<semaphore_mem>>)
      %dma_start3A_44 = arith.constant 0 : i32
      %dma_start3A_45 = tpu.memref_slice %arg12[%add3A_40, %dma_start3A_44] : memref<10240x128xf32, #tpu.memory_space<vmem_shared>> -> memref<80x128xf32, #tpu.memory_space<vmem_shared>>
      %dma_start3A_46 = arith.constant 0 : i32
      %dma_start3A_47 = tpu.memref_slice %arg12[%add3A_40, %dma_start3A_46] : memref<10240x128xf32, #tpu.memory_space<vmem_shared>> -> memref<80x128xf32, #tpu.memory_space<vmem_shared>>
      tpu.enqueue_dma source(%dma_start3A_47 : memref<80x128xf32, #tpu.memory_space<vmem_shared>>) target(%arg10 : memref<80x128xf32, #tpu.memory_space<vmem>>) target_semaphore(%arg16 : memref<!tpu.dma_semaphore, #tpu.memory_space<semaphore_mem>>)
      %dma_wait3A = arith.constant 0 : i32
      %dma_wait3A_48 = tpu.memref_slice %arg12[%add3A, %dma_wait3A] : memref<10240x128xf32, #tpu.memory_space<vmem_shared>> -> memref<80x128xf32, #tpu.memory_space<vmem_shared>>
      %dma_wait3A_49 = arith.constant 0 : i32
      %dma_wait3A_50 = tpu.memref_slice %arg12[%add3A, %dma_wait3A_49] : memref<10240x128xf32, #tpu.memory_space<vmem_shared>> -> memref<80x128xf32, #tpu.memory_space<vmem_shared>>
      tpu.wait_dma2 semaphore(%arg15 : memref<!tpu.dma_semaphore, #tpu.memory_space<semaphore_mem>>) src(%dma_wait3A_50 : memref<80x128xf32, #tpu.memory_space<vmem_shared>>) dst(%arg9 : memref<80x128xf32, #tpu.memory_space<vmem>>)
      %mul3A_51 = arith.constant 10240 : i32
      %mul3A_52 = arith.muli %arg0, %mul3A_51 : i32
      %add3A_53 = arith.addi %mul3A_52, %add3A : i32
      %dma_start3A_54 = arith.constant 0 : i32
      %dma_start3A_55 = tpu.memref_slice %arg6[%add3A_53, %dma_start3A_54] : memref<20480x128xf32, #tpu.memory_space<hbm>> -> memref<80x128xf32, #tpu.memory_space<hbm>>
      %dma_start3A_56 = arith.constant 0 : i32
      %dma_start3A_57 = tpu.memref_slice %arg6[%add3A_53, %dma_start3A_56] : memref<20480x128xf32, #tpu.memory_space<hbm>> -> memref<80x128xf32, #tpu.memory_space<hbm>>
      tpu.enqueue_dma source(%arg9 : memref<80x128xf32, #tpu.memory_space<vmem>>) target(%dma_start3A_57 : memref<80x128xf32, #tpu.memory_space<hbm>>) target_semaphore(%arg17 : memref<!tpu.dma_semaphore, #tpu.memory_space<semaphore_mem>>)
      %dma_wait3A_58 = arith.constant 0 : i32
      %dma_wait3A_59 = tpu.memref_slice %arg12[%add3A_40, %dma_wait3A_58] : memref<10240x128xf32, #tpu.memory_space<vmem_shared>> -> memref<80x128xf32, #tpu.memory_space<vmem_shared>>
      %dma_wait3A_60 = arith.constant 0 : i32
      %dma_wait3A_61 = tpu.memref_slice %arg12[%add3A_40, %dma_wait3A_60] : memref<10240x128xf32, #tpu.memory_space<vmem_shared>> -> memref<80x128xf32, #tpu.memory_space<vmem_shared>>
      tpu.wait_dma2 semaphore(%arg16 : memref<!tpu.dma_semaphore, #tpu.memory_space<semaphore_mem>>) src(%dma_wait3A_61 : memref<80x128xf32, #tpu.memory_space<vmem_shared>>) dst(%arg10 : memref<80x128xf32, #tpu.memory_space<vmem>>)
      %mul3A_62 = arith.constant 10240 : i32
      %mul3A_63 = arith.muli %arg0, %mul3A_62 : i32
      %add3A_64 = arith.addi %mul3A_63, %add3A_40 : i32
      %dma_start3A_65 = arith.constant 0 : i32
      %dma_start3A_66 = tpu.memref_slice %arg6[%add3A_64, %dma_start3A_65] : memref<20480x128xf32, #tpu.memory_space<hbm>> -> memref<80x128xf32, #tpu.memory_space<hbm>>
      %dma_start3A_67 = arith.constant 0 : i32
      %dma_start3A_68 = tpu.memref_slice %arg6[%add3A_64, %dma_start3A_67] : memref<20480x128xf32, #tpu.memory_space<hbm>> -> memref<80x128xf32, #tpu.memory_space<hbm>>
      tpu.enqueue_dma source(%arg10 : memref<80x128xf32, #tpu.memory_space<vmem>>) target(%dma_start3A_68 : memref<80x128xf32, #tpu.memory_space<hbm>>) target_semaphore(%arg18 : memref<!tpu.dma_semaphore, #tpu.memory_space<semaphore_mem>>)
      %dma_wait3A_69 = arith.constant 0 : i32
      %dma_wait3A_70 = tpu.memref_slice %arg6[%add3A_53, %dma_wait3A_69] : memref<20480x128xf32, #tpu.memory_space<hbm>> -> memref<80x128xf32, #tpu.memory_space<hbm>>
      %dma_wait3A_71 = arith.constant 0 : i32
      %dma_wait3A_72 = tpu.memref_slice %arg6[%add3A_53, %dma_wait3A_71] : memref<20480x128xf32, #tpu.memory_space<hbm>> -> memref<80x128xf32, #tpu.memory_space<hbm>>
      tpu.wait_dma2 semaphore(%arg17 : memref<!tpu.dma_semaphore, #tpu.memory_space<semaphore_mem>>) src(%arg9 : memref<80x128xf32, #tpu.memory_space<vmem>>) dst(%dma_wait3A_72 : memref<80x128xf32, #tpu.memory_space<hbm>>)
      %dma_wait3A_73 = arith.constant 0 : i32
      %dma_wait3A_74 = tpu.memref_slice %arg6[%add3A_64, %dma_wait3A_73] : memref<20480x128xf32, #tpu.memory_space<hbm>> -> memref<80x128xf32, #tpu.memory_space<hbm>>
      %dma_wait3A_75 = arith.constant 0 : i32
      %dma_wait3A_76 = tpu.memref_slice %arg6[%add3A_64, %dma_wait3A_75] : memref<20480x128xf32, #tpu.memory_space<hbm>> -> memref<80x128xf32, #tpu.memory_space<hbm>>
      tpu.wait_dma2 semaphore(%arg18 : memref<!tpu.dma_semaphore, #tpu.memory_space<semaphore_mem>>) src(%arg10 : memref<80x128xf32, #tpu.memory_space<vmem>>) dst(%dma_wait3A_76 : memref<80x128xf32, #tpu.memory_space<hbm>>)
    }
    %scan3A_24 = arith.constant 4 : i32
    return
  }
}

module attributes {stable_mosaic.version = 14 : i64} {
  func.func @_edge_body(%arg0: i32, %arg1: memref<4000x128xf32, #tpu.memory_space<vmem>>, %arg2: memref<4000x128xf32, #tpu.memory_space<vmem>>, %arg3: memref<4000x256xf32, #tpu.memory_space<vmem>>, %arg4: memref<128x128xf32, #tpu.memory_space<vmem>>, %arg5: memref<4000x128xf32, #tpu.memory_space<vmem>>, %arg6: memref<4000x128xf32, #tpu.memory_space<vmem>>) attributes {dimension_semantics = [#tpu.dimension_semantics<arbitrary>], iteration_bounds = array<i64: 80>, scalar_prefetch = 0 : i64, scratch_operands = 0 : i64, tpu.core_type = #tpu.core_type<tc>, window_params = [{transform_indices = @transform_0, window_bounds = array<i64: 4000, 128>}, {transform_indices = @transform_1, window_bounds = array<i64: 4000, 128>}, {transform_indices = @transform_2, window_bounds = array<i64: 4000, 256>}, {pipeline_mode = #tpu.pipeline_mode<synchronous>, transform_indices = @transform_3, window_bounds = array<i64: 128, 128>}, {transform_indices = @transform_4, window_bounds = array<i64: 4000, 128>}, {transform_indices = @transform_5, window_bounds = array<i64: 4000, 128>}]} {
    %get3A = arith.constant 0 : index
    %get3A_0 = arith.constant 0 : index
    %get3A_1 = vector.load %arg1[%get3A, %get3A_0] : memref<4000x128xf32, #tpu.memory_space<vmem>>, vector<4000x128xf32>
    %get3A_2 = arith.constant 0 : index
    %get3A_3 = arith.constant 0 : index
    %get3A_4 = vector.load %arg4[%get3A_2, %get3A_3] : memref<128x128xf32, #tpu.memory_space<vmem>>, vector<128x128xf32>
    %dot_general3A = arith.constant dense<0.000000e+00> : vector<4000x128xf32>
    %dot_general3A_5 = tpu.matmul %get3A_1, %get3A_4, %dot_general3A {dimension_numbers = #tpu.dot_dimension_numbers<[1], [0], [0], [1], [0, 0, 1, 1], [], []>, transpose_lhs_hint = false} : vector<4000x128xf32>, vector<128x128xf32>, vector<4000x128xf32> -> vector<4000x128xf32>
    %get3A_6 = arith.constant 0 : index
    %get3A_7 = arith.constant 0 : index
    %get3A_8 = vector.load %arg3[%get3A_6, %get3A_7] : memref<4000x256xf32, #tpu.memory_space<vmem>>, vector<4000x128xf32>
    %add3A = arith.addf %get3A_8, %dot_general3A_5 : vector<4000x128xf32>
    %get3A_9 = arith.constant 0 : index
    %get3A_10 = arith.constant 128 : index
    %get3A_11 = vector.load %arg3[%get3A_9, %get3A_10] : memref<4000x256xf32, #tpu.memory_space<vmem>>, vector<4000x128xf32>
    %add3A_12 = arith.addf %get3A_11, %dot_general3A_5 : vector<4000x128xf32>
    %iota3A = tpu.iota {dimensions = array<i32: 0>} : vector<128x8xi32>
    %jit3A = arith.constant 16 : i32
    %div3A = vector.broadcast %jit3A : i32 to vector<128x8xi32>
    %div3A_13 = arith.divsi %iota3A, %div3A : vector<128x8xi32>
    %sign3A = arith.constant 0 : i32
    %sign3A_14 = vector.broadcast %sign3A : i32 to vector<128x8xi32>
    %sign3A_15 = arith.cmpi sgt, %iota3A, %sign3A_14 : vector<128x8xi32>
    %sign3A_16 = arith.extui %sign3A_15 : vector<128x8xi1> to vector<128x8xi32>
    %sign3A_17 = arith.constant 0 : i32
    %sign3A_18 = vector.broadcast %sign3A_17 : i32 to vector<128x8xi32>
    %sign3A_19 = arith.cmpi slt, %iota3A, %sign3A_18 : vector<128x8xi32>
    %sign3A_20 = arith.extui %sign3A_19 : vector<128x8xi1> to vector<128x8xi32>
    %sign3A_21 = arith.subi %sign3A_16, %sign3A_20 : vector<128x8xi32>
    %sign3A_22 = arith.constant 0 : i32
    %sign3A_23 = arith.cmpi sgt, %jit3A, %sign3A_22 : i32
    %sign3A_24 = arith.extui %sign3A_23 : i1 to i32
    %sign3A_25 = arith.constant 0 : i32
    %sign3A_26 = arith.cmpi slt, %jit3A, %sign3A_25 : i32
    %sign3A_27 = arith.extui %sign3A_26 : i1 to i32
    %sign3A_28 = arith.subi %sign3A_24, %sign3A_27 : i32
    %ne3A = vector.broadcast %sign3A_28 : i32 to vector<128x8xi32>
    %ne3A_29 = arith.cmpi ne, %sign3A_21, %ne3A : vector<128x8xi32>
    %rem3A = vector.broadcast %jit3A : i32 to vector<128x8xi32>
    %rem3A_30 = arith.remsi %iota3A, %rem3A : vector<128x8xi32>
    %ne3A_31 = arith.constant 0 : i32
    %ne3A_32 = vector.broadcast %ne3A_31 : i32 to vector<128x8xi32>
    %ne3A_33 = arith.cmpi ne, %rem3A_30, %ne3A_32 : vector<128x8xi32>
    %and3A = arith.andi %ne3A_29, %ne3A_33 : vector<128x8xi1>
    %sub3A = arith.constant 1 : i32
    %sub3A_34 = vector.broadcast %sub3A : i32 to vector<128x8xi32>
    %sub3A_35 = arith.subi %div3A_13, %sub3A_34 : vector<128x8xi32>
    %select_n3A = arith.select %and3A, %sub3A_35, %div3A_13 : vector<128x8xi1>, vector<128x8xi32>
    %iota3A_36 = tpu.iota {dimensions = array<i32: 1>} : vector<128x8xi32>
    %jit3A_37 = arith.constant 1 : i32
    %div3A_38 = vector.broadcast %jit3A_37 : i32 to vector<128x8xi32>
    %div3A_39 = arith.divsi %iota3A_36, %div3A_38 : vector<128x8xi32>
    %sign3A_40 = arith.constant 0 : i32
    %sign3A_41 = vector.broadcast %sign3A_40 : i32 to vector<128x8xi32>
    %sign3A_42 = arith.cmpi sgt, %iota3A_36, %sign3A_41 : vector<128x8xi32>
    %sign3A_43 = arith.extui %sign3A_42 : vector<128x8xi1> to vector<128x8xi32>
    %sign3A_44 = arith.constant 0 : i32
    %sign3A_45 = vector.broadcast %sign3A_44 : i32 to vector<128x8xi32>
    %sign3A_46 = arith.cmpi slt, %iota3A_36, %sign3A_45 : vector<128x8xi32>
    %sign3A_47 = arith.extui %sign3A_46 : vector<128x8xi1> to vector<128x8xi32>
    %sign3A_48 = arith.subi %sign3A_43, %sign3A_47 : vector<128x8xi32>
    %sign3A_49 = arith.constant 0 : i32
    %sign3A_50 = arith.cmpi sgt, %jit3A_37, %sign3A_49 : i32
    %sign3A_51 = arith.extui %sign3A_50 : i1 to i32
    %sign3A_52 = arith.constant 0 : i32
    %sign3A_53 = arith.cmpi slt, %jit3A_37, %sign3A_52 : i32
    %sign3A_54 = arith.extui %sign3A_53 : i1 to i32
    %sign3A_55 = arith.subi %sign3A_51, %sign3A_54 : i32
    %ne3A_56 = vector.broadcast %sign3A_55 : i32 to vector<128x8xi32>
    %ne3A_57 = arith.cmpi ne, %sign3A_48, %ne3A_56 : vector<128x8xi32>
    %rem3A_58 = vector.broadcast %jit3A_37 : i32 to vector<128x8xi32>
    %rem3A_59 = arith.remsi %iota3A_36, %rem3A_58 : vector<128x8xi32>
    %ne3A_60 = arith.constant 0 : i32
    %ne3A_61 = vector.broadcast %ne3A_60 : i32 to vector<128x8xi32>
    %ne3A_62 = arith.cmpi ne, %rem3A_59, %ne3A_61 : vector<128x8xi32>
    %and3A_63 = arith.andi %ne3A_57, %ne3A_62 : vector<128x8xi1>
    %sub3A_64 = arith.constant 1 : i32
    %sub3A_65 = vector.broadcast %sub3A_64 : i32 to vector<128x8xi32>
    %sub3A_66 = arith.subi %div3A_39, %sub3A_65 : vector<128x8xi32>
    %select_n3A_67 = arith.select %and3A_63, %sub3A_66, %div3A_39 : vector<128x8xi1>, vector<128x8xi32>
    %eq3A = arith.cmpi eq, %select_n3A, %select_n3A_67 : vector<128x8xi32>
    %convert_element_type3A = arith.extui %eq3A : vector<128x8xi1> to vector<128x8xi32>
    %convert_element_type3A_68 = arith.sitofp %convert_element_type3A : vector<128x8xi32> to vector<128x8xf32>
    %iota3A_69 = tpu.iota {dimensions = array<i32: 0>} : vector<8x128xi32>
    %jit3A_70 = arith.constant 1 : i32
    %div3A_71 = vector.broadcast %jit3A_70 : i32 to vector<8x128xi32>
    %div3A_72 = arith.divsi %iota3A_69, %div3A_71 : vector<8x128xi32>
    %sign3A_73 = arith.constant 0 : i32
    %sign3A_74 = vector.broadcast %sign3A_73 : i32 to vector<8x128xi32>
    %sign3A_75 = arith.cmpi sgt, %iota3A_69, %sign3A_74 : vector<8x128xi32>
    %sign3A_76 = arith.extui %sign3A_75 : vector<8x128xi1> to vector<8x128xi32>
    %sign3A_77 = arith.constant 0 : i32
    %sign3A_78 = vector.broadcast %sign3A_77 : i32 to vector<8x128xi32>
    %sign3A_79 = arith.cmpi slt, %iota3A_69, %sign3A_78 : vector<8x128xi32>
    %sign3A_80 = arith.extui %sign3A_79 : vector<8x128xi1> to vector<8x128xi32>
    %sign3A_81 = arith.subi %sign3A_76, %sign3A_80 : vector<8x128xi32>
    %sign3A_82 = arith.constant 0 : i32
    %sign3A_83 = arith.cmpi sgt, %jit3A_70, %sign3A_82 : i32
    %sign3A_84 = arith.extui %sign3A_83 : i1 to i32
    %sign3A_85 = arith.constant 0 : i32
    %sign3A_86 = arith.cmpi slt, %jit3A_70, %sign3A_85 : i32
    %sign3A_87 = arith.extui %sign3A_86 : i1 to i32
    %sign3A_88 = arith.subi %sign3A_84, %sign3A_87 : i32
    %ne3A_89 = vector.broadcast %sign3A_88 : i32 to vector<8x128xi32>
    %ne3A_90 = arith.cmpi ne, %sign3A_81, %ne3A_89 : vector<8x128xi32>
    %rem3A_91 = vector.broadcast %jit3A_70 : i32 to vector<8x128xi32>
    %rem3A_92 = arith.remsi %iota3A_69, %rem3A_91 : vector<8x128xi32>
    %ne3A_93 = arith.constant 0 : i32
    %ne3A_94 = vector.broadcast %ne3A_93 : i32 to vector<8x128xi32>
    %ne3A_95 = arith.cmpi ne, %rem3A_92, %ne3A_94 : vector<8x128xi32>
    %and3A_96 = arith.andi %ne3A_90, %ne3A_95 : vector<8x128xi1>
    %sub3A_97 = arith.constant 1 : i32
    %sub3A_98 = vector.broadcast %sub3A_97 : i32 to vector<8x128xi32>
    %sub3A_99 = arith.subi %div3A_72, %sub3A_98 : vector<8x128xi32>
    %select_n3A_100 = arith.select %and3A_96, %sub3A_99, %div3A_72 : vector<8x128xi1>, vector<8x128xi32>
    %iota3A_101 = tpu.iota {dimensions = array<i32: 1>} : vector<8x128xi32>
    %jit3A_102 = arith.constant 16 : i32
    %div3A_103 = vector.broadcast %jit3A_102 : i32 to vector<8x128xi32>
    %div3A_104 = arith.divsi %iota3A_101, %div3A_103 : vector<8x128xi32>
    %sign3A_105 = arith.constant 0 : i32
    %sign3A_106 = vector.broadcast %sign3A_105 : i32 to vector<8x128xi32>
    %sign3A_107 = arith.cmpi sgt, %iota3A_101, %sign3A_106 : vector<8x128xi32>
    %sign3A_108 = arith.extui %sign3A_107 : vector<8x128xi1> to vector<8x128xi32>
    %sign3A_109 = arith.constant 0 : i32
    %sign3A_110 = vector.broadcast %sign3A_109 : i32 to vector<8x128xi32>
    %sign3A_111 = arith.cmpi slt, %iota3A_101, %sign3A_110 : vector<8x128xi32>
    %sign3A_112 = arith.extui %sign3A_111 : vector<8x128xi1> to vector<8x128xi32>
    %sign3A_113 = arith.subi %sign3A_108, %sign3A_112 : vector<8x128xi32>
    %sign3A_114 = arith.constant 0 : i32
    %sign3A_115 = arith.cmpi sgt, %jit3A_102, %sign3A_114 : i32
    %sign3A_116 = arith.extui %sign3A_115 : i1 to i32
    %sign3A_117 = arith.constant 0 : i32
    %sign3A_118 = arith.cmpi slt, %jit3A_102, %sign3A_117 : i32
    %sign3A_119 = arith.extui %sign3A_118 : i1 to i32
    %sign3A_120 = arith.subi %sign3A_116, %sign3A_119 : i32
    %ne3A_121 = vector.broadcast %sign3A_120 : i32 to vector<8x128xi32>
    %ne3A_122 = arith.cmpi ne, %sign3A_113, %ne3A_121 : vector<8x128xi32>
    %rem3A_123 = vector.broadcast %jit3A_102 : i32 to vector<8x128xi32>
    %rem3A_124 = arith.remsi %iota3A_101, %rem3A_123 : vector<8x128xi32>
    %ne3A_125 = arith.constant 0 : i32
    %ne3A_126 = vector.broadcast %ne3A_125 : i32 to vector<8x128xi32>
    %ne3A_127 = arith.cmpi ne, %rem3A_124, %ne3A_126 : vector<8x128xi32>
    %and3A_128 = arith.andi %ne3A_122, %ne3A_127 : vector<8x128xi1>
    %sub3A_129 = arith.constant 1 : i32
    %sub3A_130 = vector.broadcast %sub3A_129 : i32 to vector<8x128xi32>
    %sub3A_131 = arith.subi %div3A_104, %sub3A_130 : vector<8x128xi32>
    %select_n3A_132 = arith.select %and3A_128, %sub3A_131, %div3A_104 : vector<8x128xi1>, vector<8x128xi32>
    %eq3A_133 = arith.cmpi eq, %select_n3A_100, %select_n3A_132 : vector<8x128xi32>
    %convert_element_type3A_134 = arith.extui %eq3A_133 : vector<8x128xi1> to vector<8x128xi32>
    %convert_element_type3A_135 = arith.sitofp %convert_element_type3A_134 : vector<8x128xi32> to vector<8x128xf32>
    %get3A_136 = arith.constant 0 : index
    %get3A_137 = arith.constant 0 : index
    %get3A_138 = vector.load %arg2[%get3A_136, %get3A_137] : memref<4000x128xf32, #tpu.memory_space<vmem>>, vector<4000x128xf32>
    %mul3A = arith.mulf %get3A_138, %add3A : vector<4000x128xf32>
    %dot_general3A_139 = arith.constant dense<0.000000e+00> : vector<4000x8xf32>
    %dot_general3A_140 = tpu.matmul %mul3A, %convert_element_type3A_68, %dot_general3A_139 {dimension_numbers = #tpu.dot_dimension_numbers<[1], [0], [0], [1], [0, 0, 1, 1], [], []>, transpose_lhs_hint = false} : vector<4000x128xf32>, vector<128x8xf32>, vector<4000x8xf32> -> vector<4000x8xf32>
    %mul3A_141 = arith.constant 2.500000e-01 : f32
    %mul3A_142 = vector.broadcast %mul3A_141 : f32 to vector<4000x8xf32>
    %mul3A_143 = arith.mulf %dot_general3A_140, %mul3A_142 : vector<4000x8xf32>
    %exp3A = math.exp %mul3A_143 : vector<4000x8xf32>
    %dot_general3A_144 = arith.constant dense<0.000000e+00> : vector<4000x128xf32>
    %dot_general3A_145 = tpu.matmul %exp3A, %convert_element_type3A_135, %dot_general3A_144 {dimension_numbers = #tpu.dot_dimension_numbers<[1], [0], [0], [1], [0, 0, 1, 1], [], []>, transpose_lhs_hint = false} : vector<4000x8xf32>, vector<8x128xf32>, vector<4000x128xf32> -> vector<4000x128xf32>
    %mul3A_146 = arith.mulf %add3A_12, %dot_general3A_145 : vector<4000x128xf32>
    %swap3A = arith.constant 0 : index
    %swap3A_147 = arith.constant 0 : index
    %swap3A_148 = vector.load %arg5[%swap3A, %swap3A_147] : memref<4000x128xf32, #tpu.memory_space<vmem>>, vector<4000x128xf32>
    tpu.vector_store %arg5[%swap3A, %swap3A_147], %mul3A_146 {strides = array<i32>} : memref<4000x128xf32, #tpu.memory_space<vmem>>, vector<4000x128xf32>,
    %swap3A_149 = arith.constant 0 : index
    %swap3A_150 = arith.constant 0 : index
    %swap3A_151 = vector.load %arg6[%swap3A_149, %swap3A_150] : memref<4000x128xf32, #tpu.memory_space<vmem>>, vector<4000x128xf32>
    tpu.vector_store %arg6[%swap3A_149, %swap3A_150], %dot_general3A_145 {strides = array<i32>} : memref<4000x128xf32, #tpu.memory_space<vmem>>, vector<4000x128xf32>,
    return
  }
  func.func @transform_0(%arg0: i32) -> (i32, i32) {
    %c0_i32 = arith.constant 0 : i32
    %c0_i32_0 = arith.constant 0 : i32
    return %arg0, %c0_i32 : i32, i32
  }
  func.func @transform_1(%arg0: i32) -> (i32, i32) {
    %c0_i32 = arith.constant 0 : i32
    %c0_i32_0 = arith.constant 0 : i32
    return %arg0, %c0_i32 : i32, i32
  }
  func.func @transform_2(%arg0: i32) -> (i32, i32) {
    %c0_i32 = arith.constant 0 : i32
    %c0_i32_0 = arith.constant 0 : i32
    return %arg0, %c0_i32 : i32, i32
  }
  func.func @transform_3(%arg0: i32) -> (i32, i32) {
    %c0_i32 = arith.constant 0 : i32
    %c0_i32_0 = arith.constant 0 : i32
    %c0_i32_1 = arith.constant 0 : i32
    return %c0_i32, %c0_i32_0 : i32, i32
  }
  func.func @transform_4(%arg0: i32) -> (i32, i32) {
    %c0_i32 = arith.constant 0 : i32
    %c0_i32_0 = arith.constant 0 : i32
    return %arg0, %c0_i32 : i32, i32
  }
  func.func @transform_5(%arg0: i32) -> (i32, i32) {
    %c0_i32 = arith.constant 0 : i32
    %c0_i32_0 = arith.constant 0 : i32
    return %arg0, %c0_i32 : i32, i32
  }
}

module attributes {stable_mosaic.version = 14 : i64} {
  func.func @_proj_body(%arg0: i32, %arg1: memref<1000x128xf32, #tpu.memory_space<vmem>>, %arg2: memref<128x128xf32, #tpu.memory_space<vmem>>, %arg3: memref<1x128xf32, #tpu.memory_space<vmem>>, %arg4: memref<128x256xf32, #tpu.memory_space<vmem>>, %arg5: memref<1x256xf32, #tpu.memory_space<vmem>>, %arg6: memref<128x128xf32, #tpu.memory_space<vmem>>, %arg7: memref<1x128xf32, #tpu.memory_space<vmem>>, %arg8: memref<1000x128xf32, #tpu.memory_space<vmem>>, %arg9: memref<1000x256xf32, #tpu.memory_space<vmem>>, %arg10: memref<1000x128xf32, #tpu.memory_space<vmem>>) attributes {dimension_semantics = [#tpu.dimension_semantics<arbitrary>], iteration_bounds = array<i64: 10>, scalar_prefetch = 0 : i64, scratch_operands = 0 : i64, tpu.core_type = #tpu.core_type<tc>, window_params = [{transform_indices = @transform_0, window_bounds = array<i64: 1000, 128>}, {pipeline_mode = #tpu.pipeline_mode<synchronous>, transform_indices = @transform_1, window_bounds = array<i64: 128, 128>}, {pipeline_mode = #tpu.pipeline_mode<synchronous>, transform_indices = @transform_2, window_bounds = array<i64: 1, 128>}, {pipeline_mode = #tpu.pipeline_mode<synchronous>, transform_indices = @transform_3, window_bounds = array<i64: 128, 256>}, {pipeline_mode = #tpu.pipeline_mode<synchronous>, transform_indices = @transform_4, window_bounds = array<i64: 1, 256>}, {pipeline_mode = #tpu.pipeline_mode<synchronous>, transform_indices = @transform_5, window_bounds = array<i64: 128, 128>}, {pipeline_mode = #tpu.pipeline_mode<synchronous>, transform_indices = @transform_6, window_bounds = array<i64: 1, 128>}, {transform_indices = @transform_7, window_bounds = array<i64: 1000, 128>}, {transform_indices = @transform_8, window_bounds = array<i64: 1000, 256>}, {transform_indices = @transform_9, window_bounds = array<i64: 1000, 128>}]} {
    %get3A = arith.constant 0 : index
    %get3A_0 = arith.constant 0 : index
    %get3A_1 = vector.load %arg1[%get3A, %get3A_0] : memref<1000x128xf32, #tpu.memory_space<vmem>>, vector<1000x128xf32>
    %get3A_2 = arith.constant 0 : index
    %get3A_3 = arith.constant 0 : index
    %get3A_4 = vector.load %arg2[%get3A_2, %get3A_3] : memref<128x128xf32, #tpu.memory_space<vmem>>, vector<128x128xf32>
    %dot_general3A = arith.constant dense<0.000000e+00> : vector<1000x128xf32>
    %dot_general3A_5 = tpu.matmul %get3A_1, %get3A_4, %dot_general3A {dimension_numbers = #tpu.dot_dimension_numbers<[1], [0], [0], [1], [0, 0, 1, 1], [], []>, transpose_lhs_hint = false} : vector<1000x128xf32>, vector<128x128xf32>, vector<1000x128xf32> -> vector<1000x128xf32>
    %get3A_6 = arith.constant 0 : index
    %get3A_7 = arith.constant 0 : index
    %get3A_8 = vector.load %arg3[%get3A_6, %get3A_7] : memref<1x128xf32, #tpu.memory_space<vmem>>, vector<1x128xf32>
    %add3A = vector.broadcast %get3A_8 : vector<1x128xf32> to vector<1000x128xf32>
    %add3A_9 = arith.addf %dot_general3A_5, %add3A : vector<1000x128xf32>
    %swap3A = arith.constant 0 : index
    %swap3A_10 = arith.constant 0 : index
    %swap3A_11 = vector.load %arg8[%swap3A, %swap3A_10] : memref<1000x128xf32, #tpu.memory_space<vmem>>, vector<1000x128xf32>
    tpu.vector_store %arg8[%swap3A, %swap3A_10], %add3A_9 {strides = array<i32>} : memref<1000x128xf32, #tpu.memory_space<vmem>>, vector<1000x128xf32>,
    %get3A_12 = arith.constant 0 : index
    %get3A_13 = arith.constant 0 : index
    %get3A_14 = vector.load %arg4[%get3A_12, %get3A_13] : memref<128x256xf32, #tpu.memory_space<vmem>>, vector<128x256xf32>
    %dot_general3A_15 = arith.constant dense<0.000000e+00> : vector<1000x256xf32>
    %dot_general3A_16 = tpu.matmul %get3A_1, %get3A_14, %dot_general3A_15 {dimension_numbers = #tpu.dot_dimension_numbers<[1], [0], [0], [1], [0, 0, 1, 1], [], []>, transpose_lhs_hint = false} : vector<1000x128xf32>, vector<128x256xf32>, vector<1000x256xf32> -> vector<1000x256xf32>
    %get3A_17 = arith.constant 0 : index
    %get3A_18 = arith.constant 0 : index
    %get3A_19 = vector.load %arg5[%get3A_17, %get3A_18] : memref<1x256xf32, #tpu.memory_space<vmem>>, vector<1x256xf32>
    %add3A_20 = vector.broadcast %get3A_19 : vector<1x256xf32> to vector<1000x256xf32>
    %add3A_21 = arith.addf %dot_general3A_16, %add3A_20 : vector<1000x256xf32>
    %swap3A_22 = arith.constant 0 : index
    %swap3A_23 = arith.constant 0 : index
    %swap3A_24 = vector.load %arg9[%swap3A_22, %swap3A_23] : memref<1000x256xf32, #tpu.memory_space<vmem>>, vector<1000x256xf32>
    tpu.vector_store %arg9[%swap3A_22, %swap3A_23], %add3A_21 {strides = array<i32>} : memref<1000x256xf32, #tpu.memory_space<vmem>>, vector<1000x256xf32>,
    %get3A_25 = arith.constant 0 : index
    %get3A_26 = arith.constant 0 : index
    %get3A_27 = vector.load %arg6[%get3A_25, %get3A_26] : memref<128x128xf32, #tpu.memory_space<vmem>>, vector<128x128xf32>
    %dot_general3A_28 = arith.constant dense<0.000000e+00> : vector<1000x128xf32>
    %dot_general3A_29 = tpu.matmul %get3A_1, %get3A_27, %dot_general3A_28 {dimension_numbers = #tpu.dot_dimension_numbers<[1], [0], [0], [1], [0, 0, 1, 1], [], []>, transpose_lhs_hint = false} : vector<1000x128xf32>, vector<128x128xf32>, vector<1000x128xf32> -> vector<1000x128xf32>
    %get3A_30 = arith.constant 0 : index
    %get3A_31 = arith.constant 0 : index
    %get3A_32 = vector.load %arg7[%get3A_30, %get3A_31] : memref<1x128xf32, #tpu.memory_space<vmem>>, vector<1x128xf32>
    %add3A_33 = vector.broadcast %get3A_32 : vector<1x128xf32> to vector<1000x128xf32>
    %add3A_34 = arith.addf %dot_general3A_29, %add3A_33 : vector<1000x128xf32>
    %swap3A_35 = arith.constant 0 : index
    %swap3A_36 = arith.constant 0 : index
    %swap3A_37 = vector.load %arg10[%swap3A_35, %swap3A_36] : memref<1000x128xf32, #tpu.memory_space<vmem>>, vector<1000x128xf32>
    tpu.vector_store %arg10[%swap3A_35, %swap3A_36], %add3A_34 {strides = array<i32>} : memref<1000x128xf32, #tpu.memory_space<vmem>>, vector<1000x128xf32>,
    return
  }
  func.func @transform_0(%arg0: i32) -> (i32, i32) {
    %c0_i32 = arith.constant 0 : i32
    %c0_i32_0 = arith.constant 0 : i32
    return %arg0, %c0_i32 : i32, i32
  }
  func.func @transform_1(%arg0: i32) -> (i32, i32) {
    %c0_i32 = arith.constant 0 : i32
    %c0_i32_0 = arith.constant 0 : i32
    %c0_i32_1 = arith.constant 0 : i32
    return %c0_i32, %c0_i32_0 : i32, i32
  }
  func.func @transform_2(%arg0: i32) -> (i32, i32) {
    %c0_i32 = arith.constant 0 : i32
    %c0_i32_0 = arith.constant 0 : i32
    %c0_i32_1 = arith.constant 0 : i32
    return %c0_i32, %c0_i32_0 : i32, i32
  }
  func.func @transform_3(%arg0: i32) -> (i32, i32) {
    %c0_i32 = arith.constant 0 : i32
    %c0_i32_0 = arith.constant 0 : i32
    %c0_i32_1 = arith.constant 0 : i32
    return %c0_i32, %c0_i32_0 : i32, i32
  }
  func.func @transform_4(%arg0: i32) -> (i32, i32) {
    %c0_i32 = arith.constant 0 : i32
    %c0_i32_0 = arith.constant 0 : i32
    %c0_i32_1 = arith.constant 0 : i32
    return %c0_i32, %c0_i32_0 : i32, i32
  }
  func.func @transform_5(%arg0: i32) -> (i32, i32) {
    %c0_i32 = arith.constant 0 : i32
    %c0_i32_0 = arith.constant 0 : i32
    %c0_i32_1 = arith.constant 0 : i32
    return %c0_i32, %c0_i32_0 : i32, i32
  }
  func.func @transform_6(%arg0: i32) -> (i32, i32) {
    %c0_i32 = arith.constant 0 : i32
    %c0_i32_0 = arith.constant 0 : i32
    %c0_i32_1 = arith.constant 0 : i32
    return %c0_i32, %c0_i32_0 : i32, i32
  }
  func.func @transform_7(%arg0: i32) -> (i32, i32) {
    %c0_i32 = arith.constant 0 : i32
    %c0_i32_0 = arith.constant 0 : i32
    return %arg0, %c0_i32 : i32, i32
  }
  func.func @transform_8(%arg0: i32) -> (i32, i32) {
    %c0_i32 = arith.constant 0 : i32
    %c0_i32_0 = arith.constant 0 : i32
    return %arg0, %c0_i32 : i32, i32
  }
  func.func @transform_9(%arg0: i32) -> (i32, i32) {
    %c0_i32 = arith.constant 0 : i32
    %c0_i32_0 = arith.constant 0 : i32
    return %arg0, %c0_i32 : i32, i32
  }
}

module attributes {stable_mosaic.version = 14 : i64} {
  func.func @_final_body(%arg0: i32, %arg1: memref<2x1000x128xf32, #tpu.memory_space<vmem>>, %arg2: memref<1000x128xf32, #tpu.memory_space<vmem>>, %arg3: memref<1000x128xf32, #tpu.memory_space<vmem>>) attributes {dimension_semantics = [#tpu.dimension_semantics<arbitrary>], iteration_bounds = array<i64: 10>, scalar_prefetch = 0 : i64, scratch_operands = 0 : i64, tpu.core_type = #tpu.core_type<tc>, window_params = [{transform_indices = @transform_0, window_bounds = array<i64: 2, 1000, 128>}, {transform_indices = @transform_1, window_bounds = array<i64: 1000, 128>}, {transform_indices = @transform_2, window_bounds = array<i64: 1000, 128>}]} {
    %get3A = arith.constant 0 : index
    %get3A_0 = arith.constant 0 : index
    %get3A_1 = arith.constant 0 : index
    %get3A_2 = vector.load %arg1[%get3A, %get3A_0, %get3A_1] : memref<2x1000x128xf32, #tpu.memory_space<vmem>>, vector<1x1000x128xf32>
    %get3A_3 = vector.shape_cast %get3A_2 : vector<1x1000x128xf32> to vector<1000x128xf32>
    %get3A_4 = arith.constant 1 : index
    %get3A_5 = arith.constant 0 : index
    %get3A_6 = arith.constant 0 : index
    %get3A_7 = vector.load %arg1[%get3A_4, %get3A_5, %get3A_6] : memref<2x1000x128xf32, #tpu.memory_space<vmem>>, vector<1x1000x128xf32>
    %get3A_8 = vector.shape_cast %get3A_7 : vector<1x1000x128xf32> to vector<1000x128xf32>
    %add3A = arith.constant 1.000000e-16 : f32
    %add3A_9 = vector.broadcast %add3A : f32 to vector<1000x128xf32>
    %add3A_10 = arith.addf %get3A_8, %add3A_9 : vector<1000x128xf32>
    %div3A = arith.divf %get3A_3, %add3A_10 : vector<1000x128xf32>
    %get3A_11 = arith.constant 0 : index
    %get3A_12 = arith.constant 0 : index
    %get3A_13 = vector.load %arg2[%get3A_11, %get3A_12] : memref<1000x128xf32, #tpu.memory_space<vmem>>, vector<1000x128xf32>
    %add3A_14 = arith.addf %div3A, %get3A_13 : vector<1000x128xf32>
    %swap3A = arith.constant 0 : index
    %swap3A_15 = arith.constant 0 : index
    %swap3A_16 = vector.load %arg3[%swap3A, %swap3A_15] : memref<1000x128xf32, #tpu.memory_space<vmem>>, vector<1000x128xf32>
    tpu.vector_store %arg3[%swap3A, %swap3A_15], %add3A_14 {strides = array<i32>} : memref<1000x128xf32, #tpu.memory_space<vmem>>, vector<1000x128xf32>,
    return
  }
  func.func @transform_0(%arg0: i32) -> (i32, i32, i32) {
    %c0_i32 = arith.constant 0 : i32
    %c0_i32_0 = arith.constant 0 : i32
    %c0_i32_1 = arith.constant 0 : i32
    return %c0_i32, %arg0, %c0_i32_0 : i32, i32, i32
  }
  func.func @transform_1(%arg0: i32) -> (i32, i32) {
    %c0_i32 = arith.constant 0 : i32
    %c0_i32_0 = arith.constant 0 : i32
    return %arg0, %c0_i32 : i32, i32
  }
  func.func @transform_2(%arg0: i32) -> (i32, i32) {
    %c0_i32 = arith.constant 0 : i32
    %c0_i32_0 = arith.constant 0 : i32
    return %arg0, %c0_i32 : i32, i32
  }
}

</mosaic_0001>

<sc_bundles>
// kernel: kernel.10.cloned.1.call-start
scs
__scs_entry_jumppad:
0x0: {  	(pc) =	sbr.rel $0x88, $3  }
0x1: {  	(tag) =	ssettag $0x0;
	lr =	simm.s32 $0x1  }
0x2: {  	[smem:$0x3F95] =	sst lr;
	_ =	strace $0xD0000000  }
0x3: {  	_ = 	snop  }
0x4: {  	_ = 	snop  }
0x5: {  	_ = 	snop  }
0x6: {  	_ = 	snop  }
0x7: {  	_ = 	snop  }
__scs_overlays_trampoline_lowered:
0x8: {  	[smem:$0x3FA4] =	sst s0  }
0x9: {  	[smem:$0x3FA5] =	sst s1  }
0xa: {  	[smem:$0x3FA6] =	sst s2  }
0xb: {  	[smem:$0x3FA7] =	sst s3  }
0xc: {  	[smem:$0x3FA8] =	sst s4  }
0xd: {  	[smem:$0x3FA9] =	sst s5  }
0xe: {  	[smem:$0x3FAA] =	sst s6  }
0xf: {  	[smem:$0x3FAB] =	sst s7  }
0x10: {  	[smem:$0x3FAC] =	sst s8  }
0x11: {  	[smem:$0x3FAD] =	sst s9;
	s0 =	simm.s32 @!p0 $0x0  }
0x12: {  	s1 =	sld [smem:$0x3F93];
	s0 =	simm.s32 @p0 $0x1  }
0x13: {  	[smem:$0x3FAE] =	sst s0;
	s0 =	simm.s32 @!p1 $0x0  }
0x14: {  	s2 =	sld [smem:$0x3F92];
	s0 =	simm.s32 @p1 $0x1  }
0x15: {  	[smem:$0x3FAF] =	sst s0;
	s0 =	simm.s32 @!p2 $0x0  }
0x16: {  	s3 =	sld [smem:$0x3FDB];
	s0 =	simm.s32 @p2 $0x1  }
0x17: {  	s4 =	simm.s32 $0x1BF5;
	[smem:$0x3FB1] =	sst s0  }
0x18: {  	s0 =	sld [smem:$0x3F94];
	_ =	swait.ge [sflag:s4], $0x0  }
0x19: {  	s7 =	sld [smem:$0x3F95]  }
0x1a: {  	s8 =	sadd.s32 $0xFFFFE003, lr  }
0x1b: {  	s9 =	sadd.s32 $0xFFFFFEF7, lr;
	s5 =	simm.s32 $0xFFFFFFFF;
	p2 =	slt.u32 s8, $0xFFFFF086  }
0x1c: {  	p1 =	slt.u32 s9, $0xF7A;
	s5 =	simm.s32 @!p2 $0x0  }
0x1d: {  	s5 =	simm.s32 @p1 $0x1;
	p0 =	seq.s32 s7, s2  }
0x1e: {  	s7 =	smul.u32 @!p0 $0xF7A, s2;
	p2 =	seq.s32 @!p0 s5, $0x0  }
0x1f: {  	s9 =	smul.u32 $0xF7A, s1;
	s8 =	simm.s32 @!p0 $0x1BF5;
	p2 =	por !p2, p0  }
0x20: {  	[sflag:s8] =	ssyncset.s32 @!p0 $0xFFFFF086;
	s6 =	sadd.s32 @!p0 s3, s7;
	s7 =	simm.s32 @!p0 $0x108  }
0x21: {  	s3 =	sadd.s32 s3, s9;
	s6 =	sadd.s32 @!p0 $0x88, s6;
	s7 =	simm.s32 @p2 $0x1082  }
0x22: {  	[simem:s7], [sflag:s8] =	dma.local @!p0 [hbm:s6], $0xF7A  }
0x23: {  	s9 =	sor.u32 $0xD0000000, s2;
	s6 =	simm.s32 $0x108;
	_ =	swait.ge @!p0 [sflag:s8], $0x0  }
0x24: {  	s3 =	sadd.s32 $0x88, s3;
	s6 =	simm.s32 @!p1 $0x1082;
	[sflag:s4] =	ssyncset.s32 $0xFFFFF086  }
0x25: {  	[simem:s6], [sflag:s4] =	dma.local [hbm:s3], $0xF7A  }
0x26: {  	[smem:$0x3F95] =	sst s1;
	(tag) =	ssettag s2;
	_ =	strace s9  }
0x27: {  	s1 =	sld [smem:$0x3FA5]  }
0x28: {  	s2 =	sld [smem:$0x3FA6]  }
0x29: {  	s4 =	sld [smem:$0x3FA8]  }
0x2a: {  	p0 =	seq.s32 s5, $0x0;
	s5 =	sld [smem:$0x3FA9]  }
0x2b: {  	s6 =	sld [smem:$0x3FAA]  }
0x2c: {  	s7 =	sld [smem:$0x3FAB]  }
0x2d: {  	s3 =	simm.s32 $0x108;
	s8 =	sld [smem:$0x3FAC]  }
0x2e: {  	s3 =	simm.s32 @!p0 $0x1082;
	s9 =	sld [smem:$0x3FAD]  }
0x2f: {  	lr =	sadd.s32 s0, s3;
	s0 =	sld [smem:$0x3FA4]  }
0x30: {  	s3 =	sld [smem:$0x3FA7]  }
0x31: {  	[smem:$0x3FB0] =	sst s10  }
0x32: {  	s10 =	sld [smem:$0x3FAE];
	_ =	sdelay $0x3  }
0x33: {  	p0 =	seq.s32 s10, $0x1;
	s10 =	sld [smem:$0x3FB0];
	_ =	sdelay $0x3  }
0x34: {  	[smem:$0x3FB0] =	sst s10  }
0x35: {  	s10 =	sld [smem:$0x3FAF];
	_ =	sdelay $0x3  }
0x36: {  	p1 =	seq.s32 s10, $0x1;
	s10 =	sld [smem:$0x3FB0];
	_ =	sdelay $0x3  }
0x37: {  	[smem:$0x3FB0] =	sst s10  }
0x38: {  	s10 =	sld [smem:$0x3FB1]  }
0x39: {  	_ = 	snop;
	(pc) =	sbr.ind lr, $3  }
0x3a: {  	_ = 	snop  }
0x3b: {  	_ = 	snop  }
0x3c: {  	p2 =	seq.s32 s10, $0x1;
	s10 =	sld [smem:$0x3FB0]  }
0x3d: {  	_ =	shalt  }
0x3e: {  	_ =	shalt  }
0x3f: {  	_ =	shalt  }
0x40: {  	_ =	shalt  }
0x41: {  	_ =	shalt  }
0x42: {  	_ =	shalt  }
0x43: {  	_ =	shalt  }
0x44: {  	_ =	shalt  }
0x45: {  	_ =	shalt  }
0x46: {  	_ =	shalt  }
0x47: {  	_ =	shalt  }
0x48: {  	_ =	shalt  }
0x49: {  	_ =	shalt  }
0x4a: {  	_ =	shalt  }
0x4b: {  	_ =	shalt  }
0x4c: {  	_ =	shalt  }
0x4d: {  	_ =	shalt  }
0x4e: {  	_ =	shalt  }
0x4f: {  	_ =	shalt  }
0x50: {  	_ =	shalt  }
0x51: {  	_ =	shalt  }
0x52: {  	_ =	shalt  }
0x53: {  	_ =	shalt  }
0x54: {  	_ =	shalt  }
0x55: {  	_ =	shalt  }
0x56: {  	_ =	shalt  }
0x57: {  	_ =	shalt  }
0x58: {  	_ =	shalt  }
0x59: {  	_ =	shalt  }
0x5a: {  	_ =	shalt  }
0x5b: {  	_ =	shalt  }
0x5c: {  	_ =	shalt  }
0x5d: {  	_ =	shalt  }
0x5e: {  	_ =	shalt  }
0x5f: {  	_ =	shalt  }
0x60: {  	_ =	shalt  }
0x61: {  	_ =	shalt  }
0x62: {  	_ =	shalt  }
0x63: {  	_ =	shalt  }
0x64: {  	_ =	shalt  }
0x65: {  	_ =	shalt  }
0x66: {  	_ =	shalt  }
0x67: {  	_ =	shalt  }
0x68: {  	_ =	shalt  }
0x69: {  	_ =	shalt  }
0x6a: {  	_ =	shalt  }
0x6b: {  	_ =	shalt  }
0x6c: {  	_ =	shalt  }
0x6d: {  	_ =	shalt  }
0x6e: {  	_ =	shalt  }
0x6f: {  	_ =	shalt  }
0x70: {  	_ =	shalt  }
0x71: {  	_ =	shalt  }
0x72: {  	_ =	shalt  }
0x73: {  	_ =	shalt  }
0x74: {  	_ =	shalt  }
0x75: {  	_ =	shalt  }
0x76: {  	_ =	shalt  }
0x77: {  	_ =	shalt  }
0x78: {  	_ =	shalt  }
0x79: {  	_ =	shalt  }
0x7a: {  	_ =	shalt  }
0x7b: {  	_ =	shalt  }
0x7c: {  	_ =	shalt  }
0x7d: {  	_ =	shalt  }
0x7e: {  	_ =	shalt  }
0x7f: {  	_ =	shalt  }
0x80: {  	_ =	shalt  }
0x81: {  	_ =	shalt  }
0x82: {  	_ =	shalt  }
0x83: {  	_ =	shalt  }
0x84: {  	_ =	shalt  }
0x85: {  	_ =	shalt  }
0x86: {  	_ =	shalt  }
0x87: {  	_ =	shalt  }
.Lfunc_end0:
.L_simem_size_0:
called_computation.1_lowered:
.L_overlay_start_0:
0x88: {  	s2 =	sld [smem:$0x3FD9]  }
0x89: {  	s3 =	sld [smem:$0x3FFE];
	_ =	sdelay $0x1  }
0x8a: {  	s1 =	srdreg.scid  }
0x8b: {  	s0 =	sand.u32 $0x1, s1  }
0x8c: {  	s17 =	sshll.u32 s0, $0xA;
	s2 =	sadd.s32 s3, s2  }
0x8d: {  	s2 =	sadd.s32 s2, s17  }
0x8e: {  	[smem:$0x3FBC] =	sst s2  }
0x8f: {  	_ = 	snop  }
0x90: {  	s2 =	sld [smem:$0x3FD0];
	(tm) =	ssettm $0x1  }
0x91: {  	s18 =	sld [smem:$0x3FFB];
	_ =	sdelay $0x3  }
0x92: {  	_ =	strace s18  }
0x93: {  	s3 =	sld [smem:$0x3FFC];
	_ =	sdelay $0x3  }
0x94: {  	_ =	strace s3  }
0x95: {  	s3 =	sld [smem:$0x3FFD];
	_ =	sdelay $0x3  }
0x96: {  	_ =	strace s3  }
0x97: {  	_ =	strace $0x8FFFFFFF  }
0x98: {  	s19 =	sld [smem:$0x3FDB];
	_ =	sdelay $0x1  }
0x99: {  	s4 =	simm.s32 $_scs_section_size  }
0x9a: {  	s5 =	simm.s32 $_size__tile_overlayer_lowered;
	s6 =	simm.s32 $_tile_overlayer_lowered  }
0x9b: {  	s22 =	simm.s32 $0x1BFF;
	s21 =	sshll.u32 s6, $0x1;
	s3 =	sadd.s32 s4, s19  }
0x9c: {  	s7 =	simm.s32 $0x0;
	s20 =	sshll.u32 s5, $0x1;
	s5 =	sadd.s32 s21, s3  }
0x9d: {  	[timem:s7], [sflag:s22] =	dma.local [hbm:s5], s20  }
0x9e: {  	_ =	swait.ge [sflag:s22], s20  }
0x9f: {  	s4 =	ssub.s32 $0x0, s20;
	[sflag:s22] =	ssyncset.done $0x0  }
0xa0: {  	[sflag:s22] =	ssyncadd.s32 s4;
	_ =	sdelay $0x1  }
0xa1: {  	s23 =	simm.s32 $0x1B8B  }
0xa2: {  	_ =	swait.ge [sflag:s23], $0x1  }
0xa3: {  	[sflag:s23] =	ssyncset.done $0x0  }
0xa4: {  	s25 =	simm.s32 $0x1B8E;
	s24 =	sld [smem:$0x3FFE];
	[sflag:s23] =	ssyncadd.s32 $0xFFFFFFFF  }
0xa5: {  	s26 =	simm.s32 $execute0_lowered;
	[smem:$0x3FD2] =	sst s25  }
0xa6: {  	s5 =	sshll.u32 s26, $0x1;
	_ =	strace $0x80000049;
	[dreg:$0x1] =	wrdreg $0xFFFFFFFF  }
0xa7: {  	s28 =	simm.s32 $_size_execute0_lowered;
	s3 =	sadd.s32 s3, s5;
	[dreg:$0x0] =	wrdreg $0x0  }
0xa8: {  	s5 =	sshll.u32 s28, $0x1;
	[dreg:$0x2] =	wrdreg s3  }
0xa9: {  	[dreg:$0x3] =	wrdreg s5  }
0xaa: {  	[dreg:$0x4] =	wrdreg $0xC0  }
0xab: {  	_ =	task [dreg:s7], $0x5FFFF  }
0xac: {  	[dreg:$0x1] =	wrdreg $0xFFFFFFFF  }
0xad: {  	[dreg:$0x0] =	wrdreg $0x60  }
0xae: {  	[dreg:$0x2] =	wrdreg s24  }
0xaf: {  	[dreg:$0x3] =	wrdreg s2  }
0xb0: {  	[dreg:$0x4] =	wrdreg $0x71000  }
0xb1: {  	[dreg:$0x5] =	wrdreg $0x9  }
0xb2: {  	_ =	task.clear_ibuf [dreg:s7], $0x6FFFF;
	_ =	strace $0x90000049  }
0xb3: {  	s29 =	simm.s32 $0x9;
	_ =	strace $0x8000004B  }
0xb4: {  	_ =	swait.ge [sflag:s29], $0x1  }
0xb5: {  	[sflag:s29] =	ssyncadd.s32 $0xFFFFFFFF  }
0xb6: {  	_ =	strace $0x9000004B  }
0xb7: {  	_ =	sfence  }
0xb8: {  	s30 =	sld [smem:$0x0];
	_ =	sdelay $0x2  }
0xb9: {  	s31 =	sshll.u32 s1, $0xD;
	s1 =	sshrl.u32 s1, $0x2  }
0xba: {  	s3 =	sand.u32 $0x4000, s31;
	s1 =	sadd.s32 s1, s30  }
0xbb: {  	s0 =	sor.u32 s3, s0;
	s1 =	sshll.u32 s1, $0x11  }
0xbc: {  	s0 =	sor.u32 s1, s0  }
0xbd: {  	s0 =	sadd.s32 $0x8F2B, s0  }
0xbe: {  	[sflag:s0] =	ssyncadd.remote.s32 $0x1  }
0xbf: {  	_ =	sfence.sel $0xFFFF  }
0xc0: {  	[dreg:$0x0] =	wrdreg $0xFFFFFFFF;
	(pc) =	sbr.abs _section_cstart, $3  }
0xc1: {  	[dreg:$0x1] =	wrdreg $0xFFFFFFFF  }
0xc2: {  	_ =	task.clear_ibuf [dreg:s7], $0x2FFFF;
	_ =	strace $0x9FFFFFFF  }
0xc3: {  	(tm) =	ssettm $0x7FFFFFFF  }
tec
execute0_lowered:
.L_overlay_start_1:
0x0: {  	(tag) =	ssettag $0x1  }
0x1: {  	s0 =	rddreg [dreg:$0x0];
	s17 =	stileid.u32  }
0x2: {  	s3 =	rddreg [dreg:$0x2];
	s1 =	smul.u32 $0x9C4, s17  }
0x3: {  	s2 =	srdreg.scid;
	s4 =	simm.s32 $0x0;
	s5 =	smul.u32 $0x50000, s17  }
0x4: {  	s2 =	sand.u32 $0x1, s2;
	[smem:$0x7FF] =	sst s4;
	s7 =	smul.u32 $0x280, s17  }
0x5: {  	s10 =	sadd.s32 $0xC400, s0;
	s6 =	ssub.s32 $0x2, s2;
	_ =	strace $0x8000004A  }
0x6: {  	s9 =	smul.u32 $0x2800, s2;
	p0 =	seq.s32 s2, $0x1;
	s8 =	sshrl.u32 s6, $0x1  }
0x7: {  	s1 =	sadd.s32 s1, s0;
	s5 =	sshrl.u32 s5, $0x2;
	s21 =	sadd.s32 $0xA0, s7  }
0x8: {  	s14 =	sadd.s32 $0x140, s7;
	s24 =	sadd.s32 $0x190, s7;
	s15 =	sadd.s32 $0x1E0, s7  }
0x9: {  	s6 =	ssub.s32 s6, s8;
	s8 =	sor.u32 $0x50, s7;
	s11 =	sadd.s32 s9, s7  }
0xa: {  	s12 =	sadd.s32 s9, s21;
	s23 =	sadd.s32 s9, s14;
	s25 =	sadd.s32 s9, s24  }
0xb: {  	s16 =	sadd.s32 s9, s15;
	s21 =	sshll.u32 s21, $0x7;
	s24 =	sshll.u32 s24, $0x7  }
0xc: {  	s18 =	sshll.u32 s11, $0x4;
	s19 =	sadd.s32 s9, s8;
	s12 =	sshll.u32 s12, $0x4  }
0xd: {  	s26 =	sshll.u32 s16, $0x4;
	s16 =	simm.s32 $0x1429800;
	s11 =	simm.s32 $0x50  }
0xe: {  	s2 =	sadd.s32 s10, s18;
	s20 =	sshll.u32 s19, $0x4;
	s12 =	sadd.s32 s10, s12  }
0xf: {  	s16 =	simm.s32 @!p0 $0xF47800;
	s19 =	sshll.u32 s8, $0x7;
	[dreg:$0x4] =	wrdreg s2  }
0x10: {  	s8 =	simm.s32 $0x100;
	s2 =	sadd.s32 s10, s20;
	[dreg:$0x6] =	wrdreg s12  }
0x11: {  	s0 =	sadd.s32 s16, s0;
	[dreg:$0x5] =	wrdreg s2;
	s2 =	sadd.s32 $0xF0, s7  }
0x12: {  	s16 =	simm.s32 $0x6;
	s7 =	sadd.s32 $0x230, s7;
	s13 =	sadd.s32 s9, s2  }
0x13: {  	s9 =	sadd.s32 s9, s7;
	s2 =	sshll.u32 s2, $0x7;
	s22 =	sshll.u32 s13, $0x4  }
0x14: {  	s13 =	sshll.u32 s23, $0x4;
	s9 =	sshll.u32 s9, $0x4;
	s2 =	sadd.s32 s2, s3  }
0x15: {  	s12 =	sadd.s32 s10, s22;
	s13 =	sadd.s32 s10, s13;
	[dreg:$0x11] =	wrdreg s2  }
0x16: {  	s9 =	sadd.s32 s10, s9;
	s22 =	sshll.u32 s14, $0x7;
	[dreg:$0x7] =	wrdreg s12  }
0x17: {  	s2 =	sadd.s32 s24, s3;
	s14 =	simm.s32 $0x4;
	[dreg:$0x8] =	wrdreg s13  }
0x18: {  	s13 =	sshll.u32 s25, $0x4;
	[dreg:$0xb] =	wrdreg s9;
	s23 =	sadd.s32 s22, s3  }
0x19: {  	[dreg:$0x13] =	wrdreg s2;
	s25 =	sshll.u32 s15, $0x7;
	s9 =	simm.s32 $0x2900  }
0x1a: {  	s12 =	simm.s32 $0x2;
	s15 =	simm.s32 $0x5;
	s13 =	sadd.s32 s10, s13  }
0x1b: {  	[dreg:$0x12] =	wrdreg s23;
	s2 =	sadd.s32 s25, s3;
	s25 =	sadd.s32 $0x2600, s1  }
0x1c: {  	[dreg:$0x9] =	wrdreg s13;
	s13 =	sadd.s32 s10, s26;
	s10 =	smul.u32 $0x4E200, s17  }
0x1d: {  	s17 =	smax.u32 s6, $0x1;
	s26 =	sshll.u32 s7, $0x7;
	[dreg:$0x14] =	wrdreg s2  }
0x1e: {  	s2 =	simm.s32 $0x5100;
	s6 =	simm.s32 $0x1;
	[dreg:$0xa] =	wrdreg s13  }
0x1f: {  	s7 =	simm.s32 $0x80;
	s13 =	sadd.s32 s5, s3;
	[dreg:$0xc] =	wrdreg s17  }
0x20: {  	s5 =	sadd.s32 s19, s3;
	s23 =	sadd.s32 s26, s3;
	s17 =	simm.s32 $0x0  }
0x21: {  	s18 =	sadd.s32 $0x2000, s13;
	s0 =	sadd.s32 s10, s0;
	s20 =	sadd.s32 $0x4000, s13  }
0x22: {  	[dreg:$0xf] =	wrdreg s5;
	s5 =	sadd.s32 s21, s3;
	s26 =	sadd.s32 $0x6000, s13  }
0x23: {  	s28 =	sadd.s32 $0x8000, s13;
	s29 =	sadd.s32 $0xA000, s13;
	[dreg:$0xd] =	wrdreg s18  }
0x24: {  	s30 =	sadd.s32 $0xC000, s13;
	s31 =	sadd.s32 $0xE000, s13;
	[dreg:$0xe] =	wrdreg s20  }
0x25: {  	s1 =	sadd.s32 $0x12000, s13;
	s10 =	simm.s32 $0x3;
	[dreg:$0x10] =	wrdreg s5  }
0x26: {  	s24 =	sadd.s32 $0x500, s0;
	s0 =	sadd.s32 $0x10000, s13;
	s5 =	simm.s32 $0x7  }
.LBB2_1:
0x27: {  	s18 =	rddreg [dreg:$0x1]  }
0x28: {  	[tilespmem:s2], [sflag:$0x7] =	stream.linear.gather [hbm4b:s18+s4], $0x2000, $0x38;
	[tilespmem:$0x1B100] =	vst v63  }
0x29: {  	_ =	swait.ge [sflag:s5], $0x2000  }
0x2a: {  	[sflag:s5] =	ssyncset.done $0x0  }
0x2b: {  	[sflag:s5] =	ssyncadd.s32 $0xFFFFE000  }
0x2c: {  	[spmem:s13] =	stream.linear.scatter [tilespmem:s2], [sflag:$0x1], $0x2000, $0x38;
	[tilespmem:$0x1B100] =	vst v63  }
0x2d: {  	s19 =	rddreg [dreg:$0xd]  }
0x2e: {  	[spmem:s19] =	stream.linear.scatter [tilespmem:s2], [sflag:$0x1], $0x2000, $0x38;
	[tilespmem:$0x1B100] =	vst v63  }
0x2f: {  	s20 =	rddreg [dreg:$0xe]  }
0x30: {  	[spmem:s20] =	stream.linear.scatter [tilespmem:s2], [sflag:$0x1], $0x2000, $0x38;
	[tilespmem:$0x1B100] =	vst v63  }
0x31: {  	_ = 	snop  }
0x32: {  	[spmem:s26] =	stream.linear.scatter [tilespmem:s2], [sflag:$0x1], $0x2000, $0x38;
	[tilespmem:$0x1B100] =	vst v63  }
0x33: {  	_ = 	snop  }
0x34: {  	[spmem:s28] =	stream.linear.scatter [tilespmem:s2], [sflag:$0x1], $0x2000, $0x38;
	[tilespmem:$0x1B100] =	vst v63  }
0x35: {  	_ = 	snop  }
0x36: {  	[spmem:s29] =	stream.linear.scatter [tilespmem:s2], [sflag:$0x1], $0x2000, $0x38;
	[tilespmem:$0x1B100] =	vst v63  }
0x37: {  	_ = 	snop  }
0x38: {  	[spmem:s30] =	stream.linear.scatter [tilespmem:s2], [sflag:$0x1], $0x2000, $0x38;
	[tilespmem:$0x1B100] =	vst v63  }
0x39: {  	_ = 	snop  }
0x3a: {  	[spmem:s31] =	stream.linear.scatter [tilespmem:s2], [sflag:$0x1], $0x2000, $0x38;
	[tilespmem:$0x1B100] =	vst v63  }
0x3b: {  	_ = 	snop  }
0x3c: {  	[spmem:s0] =	stream.linear.scatter [tilespmem:s2], [sflag:$0x1], $0x2000, $0x38;
	[tilespmem:$0x1B100] =	vst v63  }
0x3d: {  	_ = 	snop  }
0x3e: {  	[spmem:s1] =	stream.linear.scatter [tilespmem:s2], [sflag:$0x1], $0x2000, $0x38;
	[tilespmem:$0x1B100] =	vst v63  }
0x3f: {  	_ =	swait.ge [sflag:s6], $0x2000  }
0x40: {  	[sflag:s6] =	ssyncset.done $0x0  }
0x41: {  	[sflag:s6] =	ssyncadd.s32 $0xFFFFE000  }
0x42: {  	_ =	swait.ge [sflag:s6], $0x2000  }
0x43: {  	[sflag:s6] =	ssyncset.done $0x0  }
0x44: {  	[sflag:s6] =	ssyncadd.s32 $0xFFFFE000  }
0x45: {  	_ =	swait.ge [sflag:s6], $0x2000  }
0x46: {  	[sflag:s6] =	ssyncset.done $0x0  }
0x47: {  	[sflag:s6] =	ssyncadd.s32 $0xFFFFE000  }
0x48: {  	_ =	swait.ge [sflag:s6], $0x2000  }
0x49: {  	[sflag:s6] =	ssyncset.done $0x0  }
0x4a: {  	[sflag:s6] =	ssyncadd.s32 $0xFFFFE000  }
0x4b: {  	_ =	swait.ge [sflag:s6], $0x2000  }
0x4c: {  	[sflag:s6] =	ssyncset.done $0x0  }
0x4d: {  	[sflag:s6] =	ssyncadd.s32 $0xFFFFE000  }
0x4e: {  	_ =	swait.ge [sflag:s6], $0x2000  }
0x4f: {  	[sflag:s6] =	ssyncset.done $0x0  }
0x50: {  	[sflag:s6] =	ssyncadd.s32 $0xFFFFE000  }
0x51: {  	_ =	swait.ge [sflag:s6], $0x2000  }
0x52: {  	[sflag:s6] =	ssyncset.done $0x0  }
0x53: {  	[sflag:s6] =	ssyncadd.s32 $0xFFFFE000  }
0x54: {  	_ =	swait.ge [sflag:s6], $0x2000  }
0x55: {  	[sflag:s6] =	ssyncset.done $0x0  }
0x56: {  	[sflag:s6] =	ssyncadd.s32 $0xFFFFE000  }
0x57: {  	_ =	swait.ge [sflag:s6], $0x2000  }
0x58: {  	[sflag:s6] =	ssyncset.done $0x0  }
0x59: {  	[sflag:s6] =	ssyncadd.s32 $0xFFFFE000  }
0x5a: {  	_ =	swait.ge [sflag:s6], $0x2000  }
0x5b: {  	[sflag:s6] =	ssyncset.done $0x0  }
0x5c: {  	[sflag:s6] =	ssyncadd.s32 $0xFFFFE000  }
0x5d: {  	s21 =	sadd.s32 $0x0, s25;
	[bflag:$0x0] =	sbarrier.arrive $0xFFFF  }
0x5e: {  	[tilespmem:s4], [sflag:$0x1] =	stream.linear.gather [hbm4b:s21+s4], $0x50, $0x38;
	[tilespmem:$0x1B100] =	vst v63  }
0x5f: {  	s18 =	sadd.s32 $0xA, s21  }
0x60: {  	[tilespmem:s7], [sflag:$0x2] =	stream.linear.gather [hbm4b:s18+s4], $0x50, $0x38;
	[tilespmem:$0x1B100] =	vst v63  }
0x61: {  	s22 =	sadd.s32 $0xFFFFFB00, s24  }
0x62: {  	[tilespmem:s8], [sflag:$0x3] =	stream.linear.gather [hbm4b:s22+s4], $0x2800, $0x38;
	[tilespmem:$0x1B100] =	vst v63  }
0x63: {  	_ = 	snop  }
0x64: {  	[tilespmem:s9], [sflag:$0x4] =	stream.linear.gather [hbm4b:s24+s4], $0x2800, $0x38;
	[tilespmem:$0x1B100] =	vst v63  }
0x65: {  	_ =	swait.ge [sflag:s6], $0x50  }
0x66: {  	[sflag:s6] =	ssyncset.done $0x0  }
0x67: {  	[sflag:s6] =	ssyncadd.s32 $0xFFFFFFB0  }
0x68: {  	_ =	swait.ge [sflag:s10], $0x2800  }
0x69: {  	[sflag:s10] =	ssyncset.done $0x0  }
0x6a: {  	[sflag:s10] =	ssyncadd.s32 $0xFFFFD800  }
0x6b: {  	[spmem:s3] =	stream.indirect.scatter.add.f32 [tilespmem:s8], [sflag:$0x5], $0x80, s4, s11, $0xb8;
	[tilespmem:$0x1B100] =	vst v63  }
0x6c: {  	_ =	swait.ge [sflag:s12], $0x50  }
0x6d: {  	[sflag:s12] =	ssyncset.done $0x0  }
0x6e: {  	[sflag:s12] =	ssyncadd.s32 $0xFFFFFFB0  }
0x6f: {  	_ =	swait.ge [sflag:s14], $0x2800  }
0x70: {  	[sflag:s14] =	ssyncset.done $0x0  }
0x71: {  	[sflag:s14] =	ssyncadd.s32 $0xFFFFD800  }
0x72: {  	[spmem:s3] =	stream.indirect.scatter.add.f32 [tilespmem:s9], [sflag:$0x6], $0x80, s7, s11, $0xb8;
	[tilespmem:$0x1B100] =	vst v63  }
0x73: {  	_ =	swait.ge [sflag:s15], $0x2800  }
0x74: {  	[sflag:s15] =	ssyncset.done $0x0  }
0x75: {  	[sflag:s15] =	ssyncadd.s32 $0xFFFFD800  }
0x76: {  	s19 =	simm.s32 $0x14;
	_ =	swait.ge [sflag:s16], $0x2800  }
0x77: {  	s20 =	simm.s32 $0x28;
	s18 =	sadd.s32 $0xA00, s24;
	[sflag:s16] =	ssyncset.done $0x0  }
.LBB2_2:
0x78: {  	s21 =	sadd.s32 s19, s25  }
0x79: {  	[sflag:s16] =	ssyncadd.s32 $0xFFFFD800;
	s19 =	smov.u32 s20;
	s22 =	sadd.s32 $0x14, s20  }
0x7a: {  	[tilespmem:s4], [sflag:$0x1] =	stream.linear.gather [hbm4b:s21+s4], $0x50, $0x38;
	[tilespmem:$0x1B100] =	vst v63  }
0x7b: {  	p0 =	sne.s32 s20, $0x9B0;
	s20 =	sadd.s32 $0xA, s21  }
0x7c: {  	[tilespmem:s7], [sflag:$0x2] =	stream.linear.gather [hbm4b:s20+s4], $0x50, $0x38;
	[tilespmem:$0x1B100] =	vst v63  }
0x7d: {  	s20 =	sadd.s32 $0xFFFFFB00, s18  }
0x7e: {  	[tilespmem:s8], [sflag:$0x3] =	stream.linear.gather [hbm4b:s20+s4], $0x2800, $0x38;
	[tilespmem:$0x1B100] =	vst v63  }
0x7f: {  	_ = 	snop  }
0x80: {  	[tilespmem:s9], [sflag:$0x4] =	stream.linear.gather [hbm4b:s18+s4], $0x2800, $0x38;
	[tilespmem:$0x1B100] =	vst v63  }
0x81: {  	_ =	swait.ge [sflag:s6], $0x50  }
0x82: {  	[sflag:s6] =	ssyncset.done $0x0  }
0x83: {  	[sflag:s6] =	ssyncadd.s32 $0xFFFFFFB0  }
0x84: {  	_ =	swait.ge [sflag:s10], $0x2800  }
0x85: {  	[sflag:s10] =	ssyncset.done $0x0  }
0x86: {  	[sflag:s10] =	ssyncadd.s32 $0xFFFFD800  }
0x87: {  	[spmem:s3] =	stream.indirect.scatter.add.f32 [tilespmem:s8], [sflag:$0x5], $0x80, s4, s11, $0xb8;
	[tilespmem:$0x1B100] =	vst v63  }
0x88: {  	_ =	swait.ge [sflag:s12], $0x50  }
0x89: {  	[sflag:s12] =	ssyncset.done $0x0  }
0x8a: {  	[sflag:s12] =	ssyncadd.s32 $0xFFFFFFB0  }
0x8b: {  	_ =	swait.ge [sflag:s14], $0x2800  }
0x8c: {  	[sflag:s14] =	ssyncset.done $0x0  }
0x8d: {  	[sflag:s14] =	ssyncadd.s32 $0xFFFFD800  }
0x8e: {  	[spmem:s3] =	stream.indirect.scatter.add.f32 [tilespmem:s9], [sflag:$0x6], $0x80, s7, s11, $0xb8;
	[tilespmem:$0x1B100] =	vst v63  }
.Ltmp0:
0x8f: {  	_ =	swait.ge [sflag:s15], $0x2800;
	(pc) =	sbr.rel @p0 .LBB2_2-.Ltmp0, $4  }
0x90: {  	[sflag:s15] =	ssyncset.done $0x0  }
0x91: {  	[sflag:s15] =	ssyncadd.s32 $0xFFFFD800  }
0x92: {  	_ =	swait.ge [sflag:s16], $0x2800  }
0x93: {  	s20 =	smov.u32 s22;
	s18 =	sadd.s32 $0xA00, s18;
	[sflag:s16] =	ssyncset.done $0x0  }
0x94: {  	s19 =	sadd.s32 s19, s25;
	[sflag:s16] =	ssyncadd.s32 $0xFFFFD800  }
0x95: {  	[tilespmem:s4], [sflag:$0x1] =	stream.linear.gather [hbm4b:s19+s4], $0x50, $0x38;
	[tilespmem:$0x1B100] =	vst v63  }
0x96: {  	s19 =	sadd.s32 $0xA, s19  }
0x97: {  	[tilespmem:s7], [sflag:$0x2] =	stream.linear.gather [hbm4b:s19+s4], $0x50, $0x38;
	[tilespmem:$0x1B100] =	vst v63  }
0x98: {  	s22 =	sadd.s32 $0xFFFFFB00, s18  }
0x99: {  	[tilespmem:s8], [sflag:$0x3] =	stream.linear.gather [hbm4b:s22+s4], $0x2800, $0x38;
	[tilespmem:$0x1B100] =	vst v63  }
0x9a: {  	_ = 	snop  }
0x9b: {  	[tilespmem:s9], [sflag:$0x4] =	stream.linear.gather [hbm4b:s18+s4], $0x2800, $0x38;
	[tilespmem:$0x1B100] =	vst v63  }
0x9c: {  	_ =	swait.ge [sflag:s6], $0x50  }
0x9d: {  	[sflag:s6] =	ssyncset.done $0x0  }
0x9e: {  	[sflag:s6] =	ssyncadd.s32 $0xFFFFFFB0  }
0x9f: {  	_ =	swait.ge [sflag:s10], $0x2800  }
0xa0: {  	[sflag:s10] =	ssyncset.done $0x0  }
0xa1: {  	[sflag:s10] =	ssyncadd.s32 $0xFFFFD800  }
0xa2: {  	[spmem:s3] =	stream.indirect.scatter.add.f32 [tilespmem:s8], [sflag:$0x5], $0x80, s4, s11, $0xb8;
	[tilespmem:$0x1B100] =	vst v63  }
0xa3: {  	_ =	swait.ge [sflag:s12], $0x50  }
0xa4: {  	[sflag:s12] =	ssyncset.done $0x0  }
0xa5: {  	[sflag:s12] =	ssyncadd.s32 $0xFFFFFFB0  }
0xa6: {  	_ =	swait.ge [sflag:s14], $0x2800  }
0xa7: {  	[sflag:s14] =	ssyncset.done $0x0  }
0xa8: {  	[sflag:s14] =	ssyncadd.s32 $0xFFFFD800  }
0xa9: {  	[spmem:s3] =	stream.indirect.scatter.add.f32 [tilespmem:s9], [sflag:$0x6], $0x80, s7, s11, $0xb8;
	[tilespmem:$0x1B100] =	vst v63  }
0xaa: {  	_ =	swait.ge [sflag:s15], $0x2800  }
0xab: {  	[sflag:s15] =	ssyncset.done $0x0  }
0xac: {  	[sflag:s15] =	ssyncadd.s32 $0xFFFFD800  }
0xad: {  	_ =	swait.ge [sflag:s16], $0x2800  }
0xae: {  	[sflag:s16] =	ssyncset.done $0x0  }
0xaf: {  	[sflag:s16] =	ssyncadd.s32 $0xFFFFD800  }
0xb0: {  	[bflag:$0x0] =	sbarrier.arrive $0xFFFF  }
0xb1: {  	[tilespmem:s8], [sflag:$0x3] =	stream.linear.gather [spmem:s13], $0x2800, $0x38;
	[tilespmem:$0x1B100] =	vst v63  }
0xb2: {  	s20 =	rddreg [dreg:$0xf]  }
0xb3: {  	[tilespmem:s9], [sflag:$0x4] =	stream.linear.gather [spmem:s20], $0x2800, $0x38;
	[tilespmem:$0x1B100] =	vst v63  }
0xb4: {  	_ =	swait.ge [sflag:s10], $0x2800  }
0xb5: {  	[sflag:s10] =	ssyncset.done $0x0  }
0xb6: {  	s21 =	rddreg [dreg:$0x4];
	[sflag:s10] =	ssyncadd.s32 $0xFFFFD800  }
0xb7: {  	[hbm4b:s21+s4] =	stream.linear.scatter [tilespmem:s8], [sflag:$0x5], $0x2800, $0x38;
	[tilespmem:$0x1B100] =	vst v63  }
0xb8: {  	_ =	swait.ge [sflag:s14], $0x2800  }
0xb9: {  	[sflag:s14] =	ssyncset.done $0x0  }
0xba: {  	s22 =	rddreg [dreg:$0x5];
	[sflag:s14] =	ssyncadd.s32 $0xFFFFD800  }
0xbb: {  	[hbm4b:s22+s4] =	stream.linear.scatter [tilespmem:s9], [sflag:$0x6], $0x2800, $0x38;
	[tilespmem:$0x1B100] =	vst v63  }
0xbc: {  	_ =	swait.ge [sflag:s15], $0x2800  }
0xbd: {  	[sflag:s15] =	ssyncset.done $0x0  }
0xbe: {  	[sflag:s15] =	ssyncadd.s32 $0xFFFFD800  }
0xbf: {  	_ =	swait.ge [sflag:s16], $0x2800  }
0xc0: {  	[sflag:s16] =	ssyncset.done $0x0  }
0xc1: {  	s19 =	rddreg [dreg:$0x10];
	[sflag:s16] =	ssyncadd.s32 $0xFFFFD800  }
0xc2: {  	[tilespmem:s8], [sflag:$0x3] =	stream.linear.gather [spmem:s19], $0x2800, $0x38;
	[tilespmem:$0x1B100] =	vst v63  }
0xc3: {  	s20 =	rddreg [dreg:$0x11]  }
0xc4: {  	[tilespmem:s9], [sflag:$0x4] =	stream.linear.gather [spmem:s20], $0x2800, $0x38;
	[tilespmem:$0x1B100] =	vst v63  }
0xc5: {  	_ =	swait.ge [sflag:s10], $0x2800  }
0xc6: {  	[sflag:s10] =	ssyncset.done $0x0  }
0xc7: {  	s21 =	rddreg [dreg:$0x6];
	[sflag:s10] =	ssyncadd.s32 $0xFFFFD800  }
0xc8: {  	[hbm4b:s21+s4] =	stream.linear.scatter [tilespmem:s8], [sflag:$0x5], $0x2800, $0x38;
	[tilespmem:$0x1B100] =	vst v63  }
0xc9: {  	_ =	swait.ge [sflag:s14], $0x2800  }
0xca: {  	[sflag:s14] =	ssyncset.done $0x0  }
0xcb: {  	s22 =	rddreg [dreg:$0x7];
	[sflag:s14] =	ssyncadd.s32 $0xFFFFD800  }
0xcc: {  	[hbm4b:s22+s4] =	stream.linear.scatter [tilespmem:s9], [sflag:$0x6], $0x2800, $0x38;
	[tilespmem:$0x1B100] =	vst v63  }
0xcd: {  	_ =	swait.ge [sflag:s15], $0x2800  }
0xce: {  	[sflag:s15] =	ssyncset.done $0x0  }
0xcf: {  	[sflag:s15] =	ssyncadd.s32 $0xFFFFD800  }
0xd0: {  	_ =	swait.ge [sflag:s16], $0x2800  }
0xd1: {  	[sflag:s16] =	ssyncset.done $0x0  }
0xd2: {  	s19 =	rddreg [dreg:$0x12];
	[sflag:s16] =	ssyncadd.s32 $0xFFFFD800  }
0xd3: {  	[tilespmem:s8], [sflag:$0x3] =	stream.linear.gather [spmem:s19], $0x2800, $0x38;
	[tilespmem:$0x1B100] =	vst v63  }
0xd4: {  	s20 =	rddreg [dreg:$0x13]  }
0xd5: {  	[tilespmem:s9], [sflag:$0x4] =	stream.linear.gather [spmem:s20], $0x2800, $0x38;
	[tilespmem:$0x1B100] =	vst v63  }
0xd6: {  	_ =	swait.ge [sflag:s10], $0x2800  }
0xd7: {  	[sflag:s10] =	ssyncset.done $0x0  }
0xd8: {  	s21 =	rddreg [dreg:$0x8];
	[sflag:s10] =	ssyncadd.s32 $0xFFFFD800  }
0xd9: {  	[hbm4b:s21+s4] =	stream.linear.scatter [tilespmem:s8], [sflag:$0x5], $0x2800, $0x38;
	[tilespmem:$0x1B100] =	vst v63  }
0xda: {  	_ =	swait.ge [sflag:s14], $0x2800  }
0xdb: {  	[sflag:s14] =	ssyncset.done $0x0  }
0xdc: {  	s22 =	rddreg [dreg:$0x9];
	[sflag:s14] =	ssyncadd.s32 $0xFFFFD800  }
0xdd: {  	[hbm4b:s22+s4] =	stream.linear.scatter [tilespmem:s9], [sflag:$0x6], $0x2800, $0x38;
	[tilespmem:$0x1B100] =	vst v63  }
0xde: {  	_ =	swait.ge [sflag:s15], $0x2800  }
0xdf: {  	[sflag:s15] =	ssyncset.done $0x0  }
0xe0: {  	[sflag:s15] =	ssyncadd.s32 $0xFFFFD800  }
0xe1: {  	_ =	swait.ge [sflag:s16], $0x2800  }
0xe2: {  	[sflag:s16] =	ssyncset.done $0x0  }
0xe3: {  	s19 =	rddreg [dreg:$0x14];
	[sflag:s16] =	ssyncadd.s32 $0xFFFFD800  }
0xe4: {  	[tilespmem:s8], [sflag:$0x3] =	stream.linear.gather [spmem:s19], $0x2800, $0x38;
	[tilespmem:$0x1B100] =	vst v63  }
0xe5: {  	_ = 	snop  }
0xe6: {  	[tilespmem:s9], [sflag:$0x4] =	stream.linear.gather [spmem:s23], $0x2800, $0x38;
	[tilespmem:$0x1B100] =	vst v63  }
0xe7: {  	_ =	swait.ge [sflag:s10], $0x2800  }
0xe8: {  	[sflag:s10] =	ssyncset.done $0x0  }
0xe9: {  	s20 =	rddreg [dreg:$0xa];
	[sflag:s10] =	ssyncadd.s32 $0xFFFFD800  }
0xea: {  	[hbm4b:s20+s4] =	stream.linear.scatter [tilespmem:s8], [sflag:$0x5], $0x2800, $0x38;
	[tilespmem:$0x1B100] =	vst v63  }
0xeb: {  	_ =	swait.ge [sflag:s14], $0x2800  }
0xec: {  	[sflag:s14] =	ssyncset.done $0x0  }
0xed: {  	s21 =	rddreg [dreg:$0xb];
	[sflag:s14] =	ssyncadd.s32 $0xFFFFD800  }
0xee: {  	[hbm4b:s21+s4] =	stream.linear.scatter [tilespmem:s9], [sflag:$0x6], $0x2800, $0x38;
	[tilespmem:$0x1B100] =	vst v63  }
0xef: {  	_ =	swait.ge [sflag:s15], $0x2800  }
0xf0: {  	[sflag:s15] =	ssyncset.done $0x0  }
0xf1: {  	[sflag:s15] =	ssyncadd.s32 $0xFFFFD800  }
0xf2: {  	_ =	swait.ge [sflag:s16], $0x2800  }
0xf3: {  	s17 =	sadd.s32 $0x1, s17;
	s22 =	rddreg [dreg:$0xc]  }
0xf4: {  	p0 =	sne.s32 s17, s22  }
.Ltmp1:
0xf5: {  	_ = 	snop;
	(pc) =	sbr.rel @p0 .LBB2_1-.Ltmp1, $3  }
0xf6: {  	_ =	sdelay $0x1  }
0xf7: {  	[sflag:s16] =	ssyncset.done $0x0  }
0xf8: {  	[sflag:s16] =	ssyncadd.s32 $0xFFFFD800  }
0xf9: {  	_ =	sfence.sel $0x180000  }
0xfa: {  	[bflag:$0x0] =	sbarrier.arrive $0xFFFF  }
0xfb: {  	_ =	strace $0x9000004A  }
0xfc: {  	s0 =	stileid.u32;
	[bflag:$0x2] =	sbarrier.arrive $0xFFFF  }
0xfd: {  	p0 =	sne.s32 s0, $0x0;
	s0 =	rddreg [dreg:$0x3]  }
0xfe: {  	s0 =	sadd.s32 @!p0 $0x100000, s0  }
0xff: {  	[sflag:s0] =	ssyncadd.tile.s32 @!p0 $0x1;
	_ =	shalt  }
.Lfunc_end2:
_tile_overlayer_lowered:
.L_overlay_start_2:
0x100: {  	(tag) =	ssettag $0x2  }
0x101: {  	s0 =	rddreg [dreg:$0x0];
	s2 =	stileid.u32  }
0x102: {  	s1 =	rddreg [dreg:$0x1];
	p0 =	sne.s32 s2, $0x0  }
0x103: {  	s3 =	rddreg [dreg:$0x2];
	[bflag:$0x3] =	sbarrier.arrive $0xFFFF;
	s2 =	simm.s32 @!p0 $0x1C07  }
0x104: {  	[timem:s3], [sflag:s2] =	dma.local @!p0 [hbm:s0], s1  }
0x105: {  	s0 =	simm.s32 @!p0 $0x7  }
0x106: {  	_ =	swait.ge @!p0 [sflag:s0], s1  }
0x107: {  	s1 =	ssub.s32 @!p0 $0x0, s1;
	[sflag:s0] =	ssyncset.done @!p0 $0x0  }
0x108: {  	[sflag:s0] =	ssyncadd.s32 @!p0 s1  }
0x109: {  	[bflag:$0x3] =	sbarrier.arrive $0xFFFF  }
0x10a: {  	_ =	shalt  }

// kernel: kernel.7.cloned.1.call-start
scs
__scs_entry_jumppad:
0x0: {  	(pc) =	sbr.rel $0x88, $3  }
0x1: {  	(tag) =	ssettag $0x0;
	lr =	simm.s32 $0x1  }
0x2: {  	[smem:$0x3F95] =	sst lr;
	_ =	strace $0xD0000000  }
0x3: {  	_ = 	snop  }
0x4: {  	_ = 	snop  }
0x5: {  	_ = 	snop  }
0x6: {  	_ = 	snop  }
0x7: {  	_ = 	snop  }
__scs_overlays_trampoline_lowered:
0x8: {  	[smem:$0x3FA4] =	sst s0  }
0x9: {  	[smem:$0x3FA5] =	sst s1  }
0xa: {  	[smem:$0x3FA6] =	sst s2  }
0xb: {  	[smem:$0x3FA7] =	sst s3  }
0xc: {  	[smem:$0x3FA8] =	sst s4  }
0xd: {  	[smem:$0x3FA9] =	sst s5  }
0xe: {  	[smem:$0x3FAA] =	sst s6  }
0xf: {  	[smem:$0x3FAB] =	sst s7  }
0x10: {  	[smem:$0x3FAC] =	sst s8  }
0x11: {  	[smem:$0x3FAD] =	sst s9;
	s0 =	simm.s32 @!p0 $0x0  }
0x12: {  	s1 =	sld [smem:$0x3F93];
	s0 =	simm.s32 @p0 $0x1  }
0x13: {  	[smem:$0x3FAE] =	sst s0;
	s0 =	simm.s32 @!p1 $0x0  }
0x14: {  	s2 =	sld [smem:$0x3F92];
	s0 =	simm.s32 @p1 $0x1  }
0x15: {  	[smem:$0x3FAF] =	sst s0;
	s0 =	simm.s32 @!p2 $0x0  }
0x16: {  	s3 =	sld [smem:$0x3FDB];
	s0 =	simm.s32 @p2 $0x1  }
0x17: {  	s4 =	simm.s32 $0x1BF5;
	[smem:$0x3FB1] =	sst s0  }
0x18: {  	s0 =	sld [smem:$0x3F94];
	_ =	swait.ge [sflag:s4], $0x0  }
0x19: {  	s7 =	sld [smem:$0x3F95]  }
0x1a: {  	s8 =	sadd.s32 $0xFFFFE003, lr  }
0x1b: {  	s9 =	sadd.s32 $0xFFFFFEF7, lr;
	s5 =	simm.s32 $0xFFFFFFFF;
	p2 =	slt.u32 s8, $0xFFFFF086  }
0x1c: {  	p1 =	slt.u32 s9, $0xF7A;
	s5 =	simm.s32 @!p2 $0x0  }
0x1d: {  	s5 =	simm.s32 @p1 $0x1;
	p0 =	seq.s32 s7, s2  }
0x1e: {  	s7 =	smul.u32 @!p0 $0xF7A, s2;
	p2 =	seq.s32 @!p0 s5, $0x0  }
0x1f: {  	s9 =	smul.u32 $0xF7A, s1;
	s8 =	simm.s32 @!p0 $0x1BF5;
	p2 =	por !p2, p0  }
0x20: {  	[sflag:s8] =	ssyncset.s32 @!p0 $0xFFFFF086;
	s6 =	sadd.s32 @!p0 s3, s7;
	s7 =	simm.s32 @!p0 $0x108  }
0x21: {  	s3 =	sadd.s32 s3, s9;
	s6 =	sadd.s32 @!p0 $0x88, s6;
	s7 =	simm.s32 @p2 $0x1082  }
0x22: {  	[simem:s7], [sflag:s8] =	dma.local @!p0 [hbm:s6], $0xF7A  }
0x23: {  	s9 =	sor.u32 $0xD0000000, s2;
	s6 =	simm.s32 $0x108;
	_ =	swait.ge @!p0 [sflag:s8], $0x0  }
0x24: {  	s3 =	sadd.s32 $0x88, s3;
	s6 =	simm.s32 @!p1 $0x1082;
	[sflag:s4] =	ssyncset.s32 $0xFFFFF086  }
0x25: {  	[simem:s6], [sflag:s4] =	dma.local [hbm:s3], $0xF7A  }
0x26: {  	[smem:$0x3F95] =	sst s1;
	(tag) =	ssettag s2;
	_ =	strace s9  }
0x27: {  	s1 =	sld [smem:$0x3FA5]  }
0x28: {  	s2 =	sld [smem:$0x3FA6]  }
0x29: {  	s4 =	sld [smem:$0x3FA8]  }
0x2a: {  	p0 =	seq.s32 s5, $0x0;
	s5 =	sld [smem:$0x3FA9]  }
0x2b: {  	s6 =	sld [smem:$0x3FAA]  }
0x2c: {  	s7 =	sld [smem:$0x3FAB]  }
0x2d: {  	s3 =	simm.s32 $0x108;
	s8 =	sld [smem:$0x3FAC]  }
0x2e: {  	s3 =	simm.s32 @!p0 $0x1082;
	s9 =	sld [smem:$0x3FAD]  }
0x2f: {  	lr =	sadd.s32 s0, s3;
	s0 =	sld [smem:$0x3FA4]  }
0x30: {  	s3 =	sld [smem:$0x3FA7]  }
0x31: {  	[smem:$0x3FB0] =	sst s10  }
0x32: {  	s10 =	sld [smem:$0x3FAE];
	_ =	sdelay $0x3  }
0x33: {  	p0 =	seq.s32 s10, $0x1;
	s10 =	sld [smem:$0x3FB0];
	_ =	sdelay $0x3  }
0x34: {  	[smem:$0x3FB0] =	sst s10  }
0x35: {  	s10 =	sld [smem:$0x3FAF];
	_ =	sdelay $0x3  }
0x36: {  	p1 =	seq.s32 s10, $0x1;
	s10 =	sld [smem:$0x3FB0];
	_ =	sdelay $0x3  }
0x37: {  	[smem:$0x3FB0] =	sst s10  }
0x38: {  	s10 =	sld [smem:$0x3FB1]  }
0x39: {  	_ = 	snop;
	(pc) =	sbr.ind lr, $3  }
0x3a: {  	_ = 	snop  }
0x3b: {  	_ = 	snop  }
0x3c: {  	p2 =	seq.s32 s10, $0x1;
	s10 =	sld [smem:$0x3FB0]  }
0x3d: {  	_ =	shalt  }
0x3e: {  	_ =	shalt  }
0x3f: {  	_ =	shalt  }
0x40: {  	_ =	shalt  }
0x41: {  	_ =	shalt  }
0x42: {  	_ =	shalt  }
0x43: {  	_ =	shalt  }
0x44: {  	_ =	shalt  }
0x45: {  	_ =	shalt  }
0x46: {  	_ =	shalt  }
0x47: {  	_ =	shalt  }
0x48: {  	_ =	shalt  }
0x49: {  	_ =	shalt  }
0x4a: {  	_ =	shalt  }
0x4b: {  	_ =	shalt  }
0x4c: {  	_ =	shalt  }
0x4d: {  	_ =	shalt  }
0x4e: {  	_ =	shalt  }
0x4f: {  	_ =	shalt  }
0x50: {  	_ =	shalt  }
0x51: {  	_ =	shalt  }
0x52: {  	_ =	shalt  }
0x53: {  	_ =	shalt  }
0x54: {  	_ =	shalt  }
0x55: {  	_ =	shalt  }
0x56: {  	_ =	shalt  }
0x57: {  	_ =	shalt  }
0x58: {  	_ =	shalt  }
0x59: {  	_ =	shalt  }
0x5a: {  	_ =	shalt  }
0x5b: {  	_ =	shalt  }
0x5c: {  	_ =	shalt  }
0x5d: {  	_ =	shalt  }
0x5e: {  	_ =	shalt  }
0x5f: {  	_ =	shalt  }
0x60: {  	_ =	shalt  }
0x61: {  	_ =	shalt  }
0x62: {  	_ =	shalt  }
0x63: {  	_ =	shalt  }
0x64: {  	_ =	shalt  }
0x65: {  	_ =	shalt  }
0x66: {  	_ =	shalt  }
0x67: {  	_ =	shalt  }
0x68: {  	_ =	shalt  }
0x69: {  	_ =	shalt  }
0x6a: {  	_ =	shalt  }
0x6b: {  	_ =	shalt  }
0x6c: {  	_ =	shalt  }
0x6d: {  	_ =	shalt  }
0x6e: {  	_ =	shalt  }
0x6f: {  	_ =	shalt  }
0x70: {  	_ =	shalt  }
0x71: {  	_ =	shalt  }
0x72: {  	_ =	shalt  }
0x73: {  	_ =	shalt  }
0x74: {  	_ =	shalt  }
0x75: {  	_ =	shalt  }
0x76: {  	_ =	shalt  }
0x77: {  	_ =	shalt  }
0x78: {  	_ =	shalt  }
0x79: {  	_ =	shalt  }
0x7a: {  	_ =	shalt  }
0x7b: {  	_ =	shalt  }
0x7c: {  	_ =	shalt  }
0x7d: {  	_ =	shalt  }
0x7e: {  	_ =	shalt  }
0x7f: {  	_ =	shalt  }
0x80: {  	_ =	shalt  }
0x81: {  	_ =	shalt  }
0x82: {  	_ =	shalt  }
0x83: {  	_ =	shalt  }
0x84: {  	_ =	shalt  }
0x85: {  	_ =	shalt  }
0x86: {  	_ =	shalt  }
0x87: {  	_ =	shalt  }
.Lfunc_end0:
.L_simem_size_0:
called_computation_lowered:
.L_overlay_start_0:
0x88: {  	s2 =	sld [smem:$0x3FD9]  }
0x89: {  	s3 =	sld [smem:$0x3FFE];
	_ =	sdelay $0x1  }
0x8a: {  	s1 =	srdreg.scid  }
0x8b: {  	s0 =	sand.u32 $0x1, s1  }
0x8c: {  	s17 =	sshll.u32 s0, $0xA;
	s2 =	sadd.s32 s3, s2  }
0x8d: {  	s2 =	sadd.s32 s2, s17  }
0x8e: {  	[smem:$0x3FBC] =	sst s2  }
0x8f: {  	_ = 	snop  }
0x90: {  	s2 =	sld [smem:$0x3FD0];
	(tm) =	ssettm $0x1  }
0x91: {  	s18 =	sld [smem:$0x3FFB];
	_ =	sdelay $0x3  }
0x92: {  	_ =	strace s18  }
0x93: {  	s3 =	sld [smem:$0x3FFC];
	_ =	sdelay $0x3  }
0x94: {  	_ =	strace s3  }
0x95: {  	s3 =	sld [smem:$0x3FFD];
	_ =	sdelay $0x3  }
0x96: {  	_ =	strace s3  }
0x97: {  	_ =	strace $0x8FFFFFFF  }
0x98: {  	s19 =	sld [smem:$0x3FDB];
	_ =	sdelay $0x1  }
0x99: {  	s4 =	simm.s32 $_scs_section_size  }
0x9a: {  	s5 =	simm.s32 $_size__tile_overlayer_lowered;
	s6 =	simm.s32 $_tile_overlayer_lowered  }
0x9b: {  	s22 =	simm.s32 $0x1BFF;
	s21 =	sshll.u32 s6, $0x1;
	s3 =	sadd.s32 s4, s19  }
0x9c: {  	s7 =	simm.s32 $0x0;
	s20 =	sshll.u32 s5, $0x1;
	s5 =	sadd.s32 s21, s3  }
0x9d: {  	[timem:s7], [sflag:s22] =	dma.local [hbm:s5], s20  }
0x9e: {  	_ =	swait.ge [sflag:s22], s20  }
0x9f: {  	s4 =	ssub.s32 $0x0, s20;
	[sflag:s22] =	ssyncset.done $0x0  }
0xa0: {  	[sflag:s22] =	ssyncadd.s32 s4;
	_ =	sdelay $0x1  }
0xa1: {  	s23 =	simm.s32 $0x1B8B  }
0xa2: {  	_ =	swait.ge [sflag:s23], $0x1  }
0xa3: {  	[sflag:s23] =	ssyncset.done $0x0  }
0xa4: {  	s25 =	simm.s32 $0x1B8E;
	s24 =	sld [smem:$0x3FFE];
	[sflag:s23] =	ssyncadd.s32 $0xFFFFFFFF  }
0xa5: {  	s26 =	simm.s32 $execute0_lowered;
	[smem:$0x3FD2] =	sst s25  }
0xa6: {  	s5 =	sshll.u32 s26, $0x1;
	_ =	strace $0x80000046;
	[dreg:$0x1] =	wrdreg $0xFFFFFFFF  }
0xa7: {  	s28 =	simm.s32 $_size_execute0_lowered;
	s3 =	sadd.s32 s3, s5;
	[dreg:$0x0] =	wrdreg $0x0  }
0xa8: {  	s5 =	sshll.u32 s28, $0x1;
	[dreg:$0x2] =	wrdreg s3  }
0xa9: {  	[dreg:$0x3] =	wrdreg s5  }
0xaa: {  	[dreg:$0x4] =	wrdreg $0xC0  }
0xab: {  	_ =	task [dreg:s7], $0x5FFFF  }
0xac: {  	[dreg:$0x1] =	wrdreg $0xFFFFFFFF  }
0xad: {  	[dreg:$0x0] =	wrdreg $0x60  }
0xae: {  	[dreg:$0x2] =	wrdreg s2  }
0xaf: {  	[dreg:$0x3] =	wrdreg s24  }
0xb0: {  	[dreg:$0x4] =	wrdreg $0x9  }
0xb1: {  	_ =	task.clear_ibuf [dreg:s7], $0x5FFFF;
	_ =	strace $0x90000046  }
0xb2: {  	s29 =	simm.s32 $0x9;
	_ =	strace $0x80000048  }
0xb3: {  	_ =	swait.ge [sflag:s29], $0x1  }
0xb4: {  	[sflag:s29] =	ssyncadd.s32 $0xFFFFFFFF  }
0xb5: {  	_ =	strace $0x90000048  }
0xb6: {  	_ =	sfence  }
0xb7: {  	s30 =	sld [smem:$0x0];
	_ =	sdelay $0x2  }
0xb8: {  	s31 =	sshll.u32 s1, $0xD;
	s1 =	sshrl.u32 s1, $0x2  }
0xb9: {  	s3 =	sand.u32 $0x4000, s31;
	s1 =	sadd.s32 s1, s30  }
0xba: {  	s0 =	sor.u32 s3, s0;
	s1 =	sshll.u32 s1, $0x11  }
0xbb: {  	s0 =	sor.u32 s1, s0  }
0xbc: {  	s0 =	sadd.s32 $0x8F2B, s0  }
0xbd: {  	[sflag:s0] =	ssyncadd.remote.s32 $0x1  }
0xbe: {  	_ =	sfence.sel $0xFFFF  }
0xbf: {  	[dreg:$0x0] =	wrdreg $0xFFFFFFFF;
	(pc) =	sbr.abs _section_cstart, $3  }
0xc0: {  	[dreg:$0x1] =	wrdreg $0xFFFFFFFF  }
0xc1: {  	_ =	task.clear_ibuf [dreg:s7], $0x2FFFF;
	_ =	strace $0x9FFFFFFF  }
0xc2: {  	(tm) =	ssettm $0x7FFFFFFF  }
0xc3: {  	_ =	shalt  }
tec
execute0_lowered:
.L_overlay_start_1:
0x0: {  	(tag) =	ssettag $0x1  }
0x1: {  	s1 =	rddreg [dreg:$0x0]  }
0x2: {  	s0 =	rddreg [dreg:$0x1];
	s3 =	simm.s32 $0x0  }
0x3: {  	s2 =	srdreg.scid;
	s12 =	stileid.u32;
	s19 =	simm.s32 $0x1A000  }
0x4: {  	s20 =	simm.s32 $0x1A800;
	s21 =	simm.s32 $0x1B000;
	s22 =	simm.s32 $0x1B800  }
0x5: {  	s23 =	simm.s32 $0x1C000;
	s24 =	simm.s32 $0x1C800;
	[smem:$0x7FF] =	sst s3  }
0x6: {  	s25 =	simm.s32 $0x1D000;
	_ =	strace $0x80000047;
	[dreg:$0x3] =	wrdreg s19  }
0x7: {  	s26 =	simm.s32 $0x1D800;
	s29 =	simm.s32 $0xF800;
	[dreg:$0x4] =	wrdreg s20  }
0x8: {  	s30 =	simm.s32 $0x12000;
	s28 =	simm.s32 $0xC;
	[dreg:$0x5] =	wrdreg s21  }
0x9: {  	s2 =	sand.u32 $0x1, s2;
	s5 =	sshll.u32 s12, $0x1;
	[dreg:$0x6] =	wrdreg s22  }
0xa: {  	s4 =	sadd.s32 $0x2C400, s0;
	s13 =	smul.u32 $0x4E200, s12;
	[dreg:$0x7] =	wrdreg s23  }
0xb: {  	s8 =	sadd.s32 $0xA1800, s0;
	s16 =	smul.u32 $0x9C400, s12;
	[dreg:$0x8] =	wrdreg s24  }
0xc: {  	s12 =	simm.s32 $0x1;
	s5 =	sor.u32 s2, s5;
	[dreg:$0x9] =	wrdreg s25  }
0xd: {  	s7 =	ssub.s32 $0x2, s2;
	[dreg:$0xa] =	wrdreg s26;
	s19 =	simm.s32 $0x4  }
0xe: {  	s20 =	simm.s32 $0x5;
	s21 =	simm.s32 $0x6;
	s22 =	simm.s32 $0x7  }
0xf: {  	s23 =	simm.s32 $0x8;
	s24 =	simm.s32 $0x9;
	s25 =	simm.s32 $0xA  }
0x10: {  	s26 =	simm.s32 $0xB;
	s6 =	sshll.u32 s5, $0xB;
	s5 =	smul.u32 $0x2710, s5  }
0x11: {  	s9 =	sshrl.u32 s7, $0x1;
	s6 =	sadd.s32 s6, s0;
	s0 =	sadd.s32 $0x583800, s0  }
0x12: {  	s7 =	ssub.s32 s7, s9;
	s31 =	sadd.s32 $0x2670, s5;
	s10 =	sadd.s32 $0xC400, s6  }
0x13: {  	s6 =	sadd.s32 $0x1C400, s6;
	s5 =	sadd.s32 $0x26C0, s5;
	[dreg:$0xc] =	wrdreg s10  }
0x14: {  	s18 =	smax.u32 s7, $0x1;
	s7 =	simm.s32 $0xB800;
	[dreg:$0xd] =	wrdreg s6  }
0x15: {  	s11 =	sshll.u32 s31, $0x4;
	s9 =	sshll.u32 s31, $0x5;
	s14 =	sshll.u32 s5, $0x4  }
0x16: {  	s5 =	sshll.u32 s5, $0x5;
	[dreg:$0x12] =	wrdreg s18;
	s18 =	simm.s32 $0xA800  }
0x17: {  	s31 =	simm.s32 $0x1E000;
	s10 =	simm.s32 $0x17000;
	s6 =	sadd.s32 s8, s11  }
0x18: {  	s11 =	smul.u32 $0x27100, s2;
	s9 =	sadd.s32 s0, s9;
	[dreg:$0xb] =	wrdreg s31  }
0x19: {  	s15 =	sadd.s32 s8, s14;
	s2 =	smul.u32 $0x4E200, s2;
	[dreg:$0xe] =	wrdreg s6  }
0x1a: {  	s5 =	sadd.s32 s0, s5;
	s0 =	sadd.s32 s16, s0;
	[dreg:$0xf] =	wrdreg s9  }
0x1b: {  	s16 =	simm.s32 $0x50;
	s14 =	simm.s32 $0x3;
	[dreg:$0x10] =	wrdreg s15  }
0x1c: {  	s6 =	sadd.s32 s13, s8;
	[dreg:$0x11] =	wrdreg s5;
	s13 =	simm.s32 $0x2  }
0x1d: {  	s8 =	simm.s32 $0xC000;
	s9 =	simm.s32 $0xC800;
	s17 =	sadd.s32 s11, s6  }
0x1e: {  	v2 =	vlaneseq.u32;
	s0 =	sadd.s32 s2, s0;
	s2 =	simm.s32 $0xD;
	s6 =	simm.s32 $0xB000  }
0x1f: {  	vm0 =	vmmov $0xffff;
	v1 =	vshrl.u32 v2, $0x3;
	s11 =	simm.s32 $0x19800;
	s5 =	sadd.s32 $0x500, s17;
	[dreg:$0x14] =	wrdreg s0  }
0x20: {  	v0 =	vand.u32 $0x7, v2;
	v2 =	vor.u32 $0x8, v2;
	v1 =	vmul.u32 $0x8, v1;
	s17 =	simm.s32 $0x8000;
	[dreg:$0x13] =	wrdreg s5;
	s5 =	simm.s32 $0x0  }
.LBB2_1:
0x21: {  	[dreg:$0x15] =	wrdreg s5  }
0x22: {  	s0 =	rddreg [dreg:$0xc]  }
0x23: {  	[tilespmem:s3], [sflag:$0xD] =	stream.linear.gather [hbm4b:s0+s3], $0x3E80, $0x38;
	[tilespmem:$0x1E800] =	vst v63  }
0x24: {  	_ =	swait.ge [sflag:s2], $0x3E80  }
0x25: {  	[sflag:s2] =	ssyncset.done $0x0  }
0x26: {  	s15 =	simm.s32 $0x4000;
	s5 =	rddreg [dreg:$0xd];
	[sflag:s2] =	ssyncadd.s32 $0xFFFFC180  }
0x27: {  	[tilespmem:s15], [sflag:$0xD] =	stream.linear.gather [hbm4b:s5+s3], $0x3E80, $0x38;
	[tilespmem:$0x1E800] =	vst v63  }
0x28: {  	_ =	swait.ge [sflag:s2], $0x3E80  }
0x29: {  	[sflag:s2] =	ssyncset.done $0x0;
	s31 =	rddreg [dreg:$0x14]  }
0x2a: {  	s0 =	rddreg [dreg:$0x13];
	[sflag:s2] =	ssyncadd.s32 $0xFFFFC180;
	s2 =	simm.s32 $0x0  }
.LBB2_2:
0x2b: {  	s15 =	sshra.s32 s2, $0x2  }
0x2c: {  	[tilespmem:s17], [sflag:$0x1] =	stream.indirect.gather [hbm4b:s1+s16], $0x80, s15, s16, $0xb8;
	[tilespmem:$0x1E800] =	vst v63  }
0x2d: {  	v3 =	vld [tilespmem:s15+$0x4000];
	_ =	sdelay $0x4  }
0x2e: {  	v4 =	vshll.u32 v3, $0x1  }
0x2f: {  	v3 =	vand.u32 $0x7, v3;
	v4 =	vand.u32 $0xFFFFFFF0, v4  }
0x30: {  	v3 =	vor.u32 v3, v4  }
0x31: {  	v4 =	vperm.xlane v3, v0;
	_ =	sdelay $0x1  }
0x32: {  	v3 =	vperm.xlane v3, v2;
	v4 =	vadd.s32 v1, v4;
	_ =	sdelay $0x1  }
0x33: {  	v3 =	vadd.s32 v1, v3;
	_ =	sdelay $0x2  }
0x34: {  	[tilespmem:s18], [sflag:$0x2] =	stream.indirect_vreg.gather [hbm4b:s4+s3], $0x80, v4, vm0, $0xb8;
	[tilespmem:$0x1E800] =	vst v63  }
0x35: {  	_ = 	snop  }
0x36: {  	[tilespmem:s6], [sflag:$0x2] =	stream.indirect_vreg.gather [hbm4b:s4+s3], $0x80, v3, vm0, $0xb8;
	[tilespmem:$0x1E800] =	vst v63  }
0x37: {  	v3 =	vld [tilespmem:s15+$0x4010];
	_ =	sdelay $0x4  }
0x38: {  	v50 =	vshll.u32 v3, $0x1  }
0x39: {  	v3 =	vand.u32 $0x7, v3;
	v4 =	vand.u32 $0xFFFFFFF0, v50  }
0x3a: {  	v3 =	vor.u32 v3, v4  }
0x3b: {  	v4 =	vperm.xlane v3, v0;
	_ =	sdelay $0x1  }
0x3c: {  	v3 =	vperm.xlane v3, v2;
	v4 =	vadd.s32 v1, v4;
	_ =	sdelay $0x1  }
0x3d: {  	v3 =	vadd.s32 v1, v3;
	_ =	sdelay $0x2  }
0x3e: {  	[tilespmem:s7], [sflag:$0x2] =	stream.indirect_vreg.gather [hbm4b:s4+s3], $0x80, v4, vm0, $0xb8;
	[tilespmem:$0x1E800] =	vst v63  }
0x3f: {  	_ = 	snop  }
0x40: {  	[tilespmem:s8], [sflag:$0x2] =	stream.indirect_vreg.gather [hbm4b:s4+s3], $0x80, v3, vm0, $0xb8;
	[tilespmem:$0x1E800] =	vst v63  }
0x41: {  	v3 =	vld [tilespmem:s15+$0x4020];
	_ =	sdelay $0x4  }
0x42: {  	v51 =	vshll.u32 v3, $0x1  }
0x43: {  	v3 =	vand.u32 $0x7, v3;
	v4 =	vand.u32 $0xFFFFFFF0, v51  }
0x44: {  	v3 =	vor.u32 v3, v4  }
0x45: {  	v4 =	vperm.xlane v3, v0;
	_ =	sdelay $0x1  }
0x46: {  	v3 =	vperm.xlane v3, v2;
	v4 =	vadd.s32 v1, v4;
	_ =	sdelay $0x1  }
0x47: {  	v3 =	vadd.s32 v1, v3;
	_ =	sdelay $0x2  }
0x48: {  	[tilespmem:s9], [sflag:$0x2] =	stream.indirect_vreg.gather [hbm4b:s4+s3], $0x80, v4, vm0, $0xb8;
	[tilespmem:$0x1E800] =	vst v63  }
0x49: {  	s5 =	simm.s32 $0xD000  }
0x4a: {  	[tilespmem:s5], [sflag:$0x2] =	stream.indirect_vreg.gather [hbm4b:s4+s3], $0x80, v3, vm0, $0xb8;
	[tilespmem:$0x1E800] =	vst v63  }
0x4b: {  	v3 =	vld [tilespmem:s15+$0x4030];
	_ =	sdelay $0x4  }
0x4c: {  	v52 =	vshll.u32 v3, $0x1  }
0x4d: {  	v3 =	vand.u32 $0x7, v3;
	v4 =	vand.u32 $0xFFFFFFF0, v52  }
0x4e: {  	v3 =	vor.u32 v3, v4  }
0x4f: {  	v4 =	vperm.xlane v3, v0;
	_ =	sdelay $0x1  }
0x50: {  	v3 =	vperm.xlane v3, v2;
	v4 =	vadd.s32 v1, v4;
	_ =	sdelay $0x1  }
0x51: {  	v3 =	vadd.s32 v1, v3;
	_ =	sdelay $0x1  }
0x52: {  	s6 =	simm.s32 $0xD800  }
0x53: {  	[tilespmem:s6], [sflag:$0x2] =	stream.indirect_vreg.gather [hbm4b:s4+s3], $0x80, v4, vm0, $0xb8;
	[tilespmem:$0x1E800] =	vst v63  }
0x54: {  	s6 =	simm.s32 $0xE000  }
0x55: {  	[tilespmem:s6], [sflag:$0x2] =	stream.indirect_vreg.gather [hbm4b:s4+s3], $0x80, v3, vm0, $0xb8;
	[tilespmem:$0x1E800] =	vst v63  }
0x56: {  	v3 =	vld [tilespmem:s15+$0x4040];
	_ =	sdelay $0x4  }
0x57: {  	v53 =	vshll.u32 v3, $0x1  }
0x58: {  	v3 =	vand.u32 $0x7, v3;
	v4 =	vand.u32 $0xFFFFFFF0, v53  }
0x59: {  	v3 =	vor.u32 v3, v4  }
0x5a: {  	v4 =	vperm.xlane v3, v0;
	_ =	sdelay $0x1  }
0x5b: {  	v3 =	vperm.xlane v3, v2;
	v4 =	vadd.s32 v1, v4;
	_ =	sdelay $0x1  }
0x5c: {  	v3 =	vadd.s32 v1, v3;
	_ =	sdelay $0x1  }
0x5d: {  	s6 =	simm.s32 $0xE800  }
0x5e: {  	[tilespmem:s6], [sflag:$0x2] =	stream.indirect_vreg.gather [hbm4b:s4+s3], $0x80, v4, vm0, $0xb8;
	[tilespmem:$0x1E800] =	vst v63  }
0x5f: {  	s6 =	simm.s32 $0xF000  }
0x60: {  	[tilespmem:s6], [sflag:$0x2] =	stream.indirect_vreg.gather [hbm4b:s4+s3], $0x80, v3, vm0, $0xb8;
	[tilespmem:$0x1E800] =	vst v63  }
0x61: {  	s6 =	sadd.s32 $0x80, s15  }
0x62: {  	[tilespmem:s29], [sflag:$0x3] =	stream.indirect.gather [hbm4b:s1+s16], $0x80, s6, s16, $0xb8;
	[tilespmem:$0x1E800] =	vst v63  }
0x63: {  	v3 =	vld [tilespmem:s15+$0x4080];
	_ =	sdelay $0x4  }
0x64: {  	v54 =	vshll.u32 v3, $0x1  }
0x65: {  	v3 =	vand.u32 $0x7, v3;
	v4 =	vand.u32 $0xFFFFFFF0, v54  }
0x66: {  	v3 =	vor.u32 v3, v4  }
0x67: {  	v4 =	vperm.xlane v3, v0;
	_ =	sdelay $0x1  }
0x68: {  	v3 =	vperm.xlane v3, v2;
	v4 =	vadd.s32 v1, v4;
	_ =	sdelay $0x1  }
0x69: {  	v3 =	vadd.s32 v1, v3;
	_ =	sdelay $0x2  }
0x6a: {  	[tilespmem:s30], [sflag:$0x4] =	stream.indirect_vreg.gather [hbm4b:s4+s3], $0x80, v4, vm0, $0xb8;
	[tilespmem:$0x1E800] =	vst v63  }
0x6b: {  	s6 =	simm.s32 $0x12800  }
0x6c: {  	[tilespmem:s6], [sflag:$0x4] =	stream.indirect_vreg.gather [hbm4b:s4+s3], $0x80, v3, vm0, $0xb8;
	[tilespmem:$0x1E800] =	vst v63  }
0x6d: {  	v3 =	vld [tilespmem:s15+$0x4090];
	_ =	sdelay $0x4  }
0x6e: {  	v55 =	vshll.u32 v3, $0x1  }
0x6f: {  	v3 =	vand.u32 $0x7, v3;
	v4 =	vand.u32 $0xFFFFFFF0, v55  }
0x70: {  	v3 =	vor.u32 v3, v4  }
0x71: {  	v4 =	vperm.xlane v3, v0;
	_ =	sdelay $0x1  }
0x72: {  	v3 =	vperm.xlane v3, v2;
	v4 =	vadd.s32 v1, v4;
	_ =	sdelay $0x1  }
0x73: {  	v3 =	vadd.s32 v1, v3;
	_ =	sdelay $0x1  }
0x74: {  	s6 =	simm.s32 $0x13000  }
0x75: {  	[tilespmem:s6], [sflag:$0x4] =	stream.indirect_vreg.gather [hbm4b:s4+s3], $0x80, v4, vm0, $0xb8;
	[tilespmem:$0x1E800] =	vst v63  }
0x76: {  	s6 =	simm.s32 $0x13800  }
0x77: {  	[tilespmem:s6], [sflag:$0x4] =	stream.indirect_vreg.gather [hbm4b:s4+s3], $0x80, v3, vm0, $0xb8;
	[tilespmem:$0x1E800] =	vst v63  }
0x78: {  	v3 =	vld [tilespmem:s15+$0x40A0];
	_ =	sdelay $0x4  }
0x79: {  	v56 =	vshll.u32 v3, $0x1  }
0x7a: {  	v3 =	vand.u32 $0x7, v3;
	v4 =	vand.u32 $0xFFFFFFF0, v56  }
0x7b: {  	v3 =	vor.u32 v3, v4  }
0x7c: {  	v4 =	vperm.xlane v3, v0;
	_ =	sdelay $0x1  }
0x7d: {  	v3 =	vperm.xlane v3, v2;
	v4 =	vadd.s32 v1, v4;
	_ =	sdelay $0x1  }
0x7e: {  	v3 =	vadd.s32 v1, v3;
	_ =	sdelay $0x1  }
0x7f: {  	s6 =	simm.s32 $0x14000  }
0x80: {  	[tilespmem:s6], [sflag:$0x4] =	stream.indirect_vreg.gather [hbm4b:s4+s3], $0x80, v4, vm0, $0xb8;
	[tilespmem:$0x1E800] =	vst v63  }
0x81: {  	s6 =	simm.s32 $0x14800  }
0x82: {  	[tilespmem:s6], [sflag:$0x4] =	stream.indirect_vreg.gather [hbm4b:s4+s3], $0x80, v3, vm0, $0xb8;
	[tilespmem:$0x1E800] =	vst v63  }
0x83: {  	v3 =	vld [tilespmem:s15+$0x40B0];
	_ =	sdelay $0x4  }
0x84: {  	v57 =	vshll.u32 v3, $0x1  }
0x85: {  	v3 =	vand.u32 $0x7, v3;
	v4 =	vand.u32 $0xFFFFFFF0, v57  }
0x86: {  	v3 =	vor.u32 v3, v4  }
0x87: {  	v4 =	vperm.xlane v3, v0;
	_ =	sdelay $0x1  }
0x88: {  	v3 =	vperm.xlane v3, v2;
	v4 =	vadd.s32 v1, v4;
	_ =	sdelay $0x1  }
0x89: {  	v3 =	vadd.s32 v1, v3;
	_ =	sdelay $0x1  }
0x8a: {  	s6 =	simm.s32 $0x15000  }
0x8b: {  	[tilespmem:s6], [sflag:$0x4] =	stream.indirect_vreg.gather [hbm4b:s4+s3], $0x80, v4, vm0, $0xb8;
	[tilespmem:$0x1E800] =	vst v63  }
0x8c: {  	s6 =	simm.s32 $0x15800  }
0x8d: {  	[tilespmem:s6], [sflag:$0x4] =	stream.indirect_vreg.gather [hbm4b:s4+s3], $0x80, v3, vm0, $0xb8;
	[tilespmem:$0x1E800] =	vst v63  }
0x8e: {  	v3 =	vld [tilespmem:s15+$0x40C0];
	_ =	sdelay $0x4  }
0x8f: {  	v58 =	vshll.u32 v3, $0x1  }
0x90: {  	v3 =	vand.u32 $0x7, v3;
	v4 =	vand.u32 $0xFFFFFFF0, v58  }
0x91: {  	v3 =	vor.u32 v3, v4  }
0x92: {  	v4 =	vperm.xlane v3, v0;
	_ =	sdelay $0x1  }
0x93: {  	v3 =	vperm.xlane v3, v2;
	v4 =	vadd.s32 v1, v4;
	_ =	sdelay $0x1  }
0x94: {  	v3 =	vadd.s32 v1, v3;
	_ =	sdelay $0x1  }
0x95: {  	s6 =	simm.s32 $0x16000  }
0x96: {  	[tilespmem:s6], [sflag:$0x4] =	stream.indirect_vreg.gather [hbm4b:s4+s3], $0x80, v4, vm0, $0xb8;
	[tilespmem:$0x1E800] =	vst v63  }
0x97: {  	s6 =	simm.s32 $0x16800  }
0x98: {  	[tilespmem:s6], [sflag:$0x4] =	stream.indirect_vreg.gather [hbm4b:s4+s3], $0x80, v3, vm0, $0xb8;
	[tilespmem:$0x1E800] =	vst v63  }
0x99: {  	s6 =	sadd.s32 $0x100, s15  }
0x9a: {  	[tilespmem:s10], [sflag:$0x5] =	stream.indirect.gather [hbm4b:s1+s16], $0x80, s6, s16, $0xb8;
	[tilespmem:$0x1E800] =	vst v63  }
0x9b: {  	v3 =	vld [tilespmem:s15+$0x4100];
	_ =	sdelay $0x4  }
0x9c: {  	v59 =	vshll.u32 v3, $0x1  }
0x9d: {  	v3 =	vand.u32 $0x7, v3;
	v4 =	vand.u32 $0xFFFFFFF0, v59  }
0x9e: {  	v3 =	vor.u32 v3, v4  }
0x9f: {  	v4 =	vperm.xlane v3, v0;
	_ =	sdelay $0x1  }
0xa0: {  	v3 =	vperm.xlane v3, v2;
	v4 =	vadd.s32 v1, v4;
	_ =	sdelay $0x1  }
0xa1: {  	v3 =	vadd.s32 v1, v3;
	_ =	sdelay $0x2  }
0xa2: {  	[tilespmem:s11], [sflag:$0x6] =	stream.indirect_vreg.gather [hbm4b:s4+s3], $0x80, v4, vm0, $0xb8;
	[tilespmem:$0x1E800] =	vst v63  }
0xa3: {  	s6 =	rddreg [dreg:$0x3]  }
0xa4: {  	[tilespmem:s6], [sflag:$0x6] =	stream.indirect_vreg.gather [hbm4b:s4+s3], $0x80, v3, vm0, $0xb8;
	[tilespmem:$0x1E800] =	vst v63  }
0xa5: {  	v3 =	vld [tilespmem:s15+$0x4110];
	_ =	sdelay $0x4  }
0xa6: {  	v60 =	vshll.u32 v3, $0x1  }
0xa7: {  	v3 =	vand.u32 $0x7, v3;
	v4 =	vand.u32 $0xFFFFFFF0, v60  }
0xa8: {  	v3 =	vor.u32 v3, v4  }
0xa9: {  	v4 =	vperm.xlane v3, v0;
	_ =	sdelay $0x1  }
0xaa: {  	v3 =	vperm.xlane v3, v2;
	v4 =	vadd.s32 v1, v4;
	_ =	sdelay $0x1  }
0xab: {  	v3 =	vadd.s32 v1, v3;
	_ =	sdelay $0x1  }
0xac: {  	s5 =	rddreg [dreg:$0x4]  }
0xad: {  	[tilespmem:s5], [sflag:$0x6] =	stream.indirect_vreg.gather [hbm4b:s4+s3], $0x80, v4, vm0, $0xb8;
	[tilespmem:$0x1E800] =	vst v63  }
0xae: {  	s6 =	rddreg [dreg:$0x5]  }
0xaf: {  	[tilespmem:s6], [sflag:$0x6] =	stream.indirect_vreg.gather [hbm4b:s4+s3], $0x80, v3, vm0, $0xb8;
	[tilespmem:$0x1E800] =	vst v63  }
0xb0: {  	v3 =	vld [tilespmem:s15+$0x4120];
	_ =	sdelay $0x4  }
0xb1: {  	v61 =	vshll.u32 v3, $0x1  }
0xb2: {  	v3 =	vand.u32 $0x7, v3;
	v4 =	vand.u32 $0xFFFFFFF0, v61  }
0xb3: {  	v3 =	vor.u32 v3, v4  }
0xb4: {  	v4 =	vperm.xlane v3, v0;
	_ =	sdelay $0x1  }
0xb5: {  	v3 =	vperm.xlane v3, v2;
	v4 =	vadd.s32 v1, v4;
	_ =	sdelay $0x1  }
0xb6: {  	v3 =	vadd.s32 v1, v3;
	_ =	sdelay $0x1  }
0xb7: {  	s5 =	rddreg [dreg:$0x6]  }
0xb8: {  	[tilespmem:s5], [sflag:$0x6] =	stream.indirect_vreg.gather [hbm4b:s4+s3], $0x80, v4, vm0, $0xb8;
	[tilespmem:$0x1E800] =	vst v63  }
0xb9: {  	s6 =	rddreg [dreg:$0x7]  }
0xba: {  	[tilespmem:s6], [sflag:$0x6] =	stream.indirect_vreg.gather [hbm4b:s4+s3], $0x80, v3, vm0, $0xb8;
	[tilespmem:$0x1E800] =	vst v63  }
0xbb: {  	v3 =	vld [tilespmem:s15+$0x4130];
	_ =	sdelay $0x4  }
0xbc: {  	v62 =	vshll.u32 v3, $0x1  }
0xbd: {  	v3 =	vand.u32 $0x7, v3;
	v4 =	vand.u32 $0xFFFFFFF0, v62  }
0xbe: {  	v3 =	vor.u32 v3, v4  }
0xbf: {  	v4 =	vperm.xlane v3, v0;
	_ =	sdelay $0x1  }
0xc0: {  	v3 =	vperm.xlane v3, v2;
	v4 =	vadd.s32 v1, v4;
	_ =	sdelay $0x1  }
0xc1: {  	v3 =	vadd.s32 v1, v3;
	_ =	sdelay $0x1  }
0xc2: {  	s5 =	rddreg [dreg:$0x8]  }
0xc3: {  	[tilespmem:s5], [sflag:$0x6] =	stream.indirect_vreg.gather [hbm4b:s4+s3], $0x80, v4, vm0, $0xb8;
	[tilespmem:$0x1E800] =	vst v63  }
0xc4: {  	s6 =	rddreg [dreg:$0x9]  }
0xc5: {  	[tilespmem:s6], [sflag:$0x6] =	stream.indirect_vreg.gather [hbm4b:s4+s3], $0x80, v3, vm0, $0xb8;
	[tilespmem:$0x1E800] =	vst v63  }
0xc6: {  	v3 =	vld [tilespmem:s15+$0x4140];
	_ =	sdelay $0x4  }
0xc7: {  	v63 =	vshll.u32 v3, $0x1  }
0xc8: {  	v3 =	vand.u32 $0x7, v3;
	v4 =	vand.u32 $0xFFFFFFF0, v63  }
0xc9: {  	v3 =	vor.u32 v3, v4  }
0xca: {  	v4 =	vperm.xlane v3, v0;
	_ =	sdelay $0x1  }
0xcb: {  	v3 =	vperm.xlane v3, v2;
	v4 =	vadd.s32 v1, v4;
	_ =	sdelay $0x1  }
0xcc: {  	v3 =	vadd.s32 v1, v3;
	_ =	sdelay $0x1  }
0xcd: {  	s6 =	rddreg [dreg:$0xa]  }
0xce: {  	[tilespmem:s6], [sflag:$0x6] =	stream.indirect_vreg.gather [hbm4b:s4+s3], $0x80, v4, vm0, $0xb8;
	[tilespmem:$0x1E800] =	vst v63  }
0xcf: {  	s15 =	rddreg [dreg:$0xb]  }
0xd0: {  	[tilespmem:s15], [sflag:$0x6] =	stream.indirect_vreg.gather [hbm4b:s4+s3], $0x80, v3, vm0, $0xb8;
	[tilespmem:$0x1E800] =	vst v63  }
0xd1: {  	_ =	swait.ge [sflag:s12], $0x2800  }
0xd2: {  	[sflag:s12] =	ssyncset.done $0x0  }
0xd3: {  	[sflag:s12] =	ssyncadd.s32 $0xFFFFD800  }
0xd4: {  	_ =	swait.ge [sflag:s13], $0x5000  }
0xd5: {  	[sflag:s13] =	ssyncset.done $0x0  }
0xd6: {  	s15 =	sadd.s32 $0xFFFFFB00, s0;
	[sflag:s13] =	ssyncadd.s32 $0xFFFFB000  }
0xd7: {  	[hbm4b:s15+s3] =	stream.linear.scatter [tilespmem:s17], [sflag:$0x7], $0x2800, $0x38;
	[tilespmem:$0x1E800] =	vst v63  }
0xd8: {  	_ = 	snop  }
0xd9: {  	[hbm4b:s31+s3] =	stream.linear.scatter [tilespmem:s18], [sflag:$0x8], $0x5000, $0x38;
	[tilespmem:$0x1E800] =	vst v63  }
0xda: {  	_ =	swait.ge [sflag:s14], $0x2800  }
0xdb: {  	[sflag:s14] =	ssyncset.done $0x0  }
0xdc: {  	[sflag:s14] =	ssyncadd.s32 $0xFFFFD800  }
0xdd: {  	_ =	swait.ge [sflag:s19], $0x5000  }
0xde: {  	[sflag:s19] =	ssyncset.done $0x0  }
0xdf: {  	[sflag:s19] =	ssyncadd.s32 $0xFFFFB000  }
0xe0: {  	[hbm4b:s0+s3] =	stream.linear.scatter [tilespmem:s29], [sflag:$0x9], $0x2800, $0x38;
	[tilespmem:$0x1E800] =	vst v63  }
0xe1: {  	s15 =	sadd.s32 $0xA00, s31  }
0xe2: {  	[hbm4b:s15+s3] =	stream.linear.scatter [tilespmem:s30], [sflag:$0xA], $0x5000, $0x38;
	[tilespmem:$0x1E800] =	vst v63  }
0xe3: {  	_ =	swait.ge [sflag:s20], $0x2800  }
0xe4: {  	[sflag:s20] =	ssyncset.done $0x0  }
0xe5: {  	[sflag:s20] =	ssyncadd.s32 $0xFFFFD800  }
0xe6: {  	_ =	swait.ge [sflag:s21], $0x5000  }
0xe7: {  	[sflag:s21] =	ssyncset.done $0x0  }
0xe8: {  	s15 =	sadd.s32 $0x500, s0;
	[sflag:s21] =	ssyncadd.s32 $0xFFFFB000  }
0xe9: {  	[hbm4b:s15+s3] =	stream.linear.scatter [tilespmem:s10], [sflag:$0xB], $0x2800, $0x38;
	[tilespmem:$0x1E800] =	vst v63  }
0xea: {  	s15 =	sadd.s32 $0x1400, s31  }
0xeb: {  	[hbm4b:s15+s3] =	stream.linear.scatter [tilespmem:s11], [sflag:$0xC], $0x5000, $0x38;
	[tilespmem:$0x1E800] =	vst v63  }
0xec: {  	_ =	swait.ge [sflag:s22], $0x2800  }
0xed: {  	[sflag:s22] =	ssyncset.done $0x0  }
0xee: {  	[sflag:s22] =	ssyncadd.s32 $0xFFFFD800  }
0xef: {  	_ =	swait.ge [sflag:s23], $0x5000  }
0xf0: {  	[sflag:s23] =	ssyncset.done $0x0  }
0xf1: {  	[sflag:s23] =	ssyncadd.s32 $0xFFFFB000  }
0xf2: {  	_ =	swait.ge [sflag:s24], $0x2800  }
0xf3: {  	[sflag:s24] =	ssyncset.done $0x0  }
0xf4: {  	[sflag:s24] =	ssyncadd.s32 $0xFFFFD800  }
0xf5: {  	_ =	swait.ge [sflag:s25], $0x5000  }
0xf6: {  	[sflag:s25] =	ssyncset.done $0x0  }
0xf7: {  	[sflag:s25] =	ssyncadd.s32 $0xFFFFB000  }
0xf8: {  	p0 =	sne.s32 s2, $0xF000;
	_ =	swait.ge [sflag:s26], $0x2800  }
.Ltmp0:
0xf9: {  	[sflag:s26] =	ssyncset.done $0x0;
	(pc) =	sbr.rel @p0 .LBB2_2-.Ltmp0, $4  }
0xfa: {  	[sflag:s26] =	ssyncadd.s32 $0xFFFFD800  }
0xfb: {  	_ =	swait.ge [sflag:s28], $0x5000  }
0xfc: {  	s2 =	sadd.s32 $0x600, s2;
	s6 =	simm.s32 $0xB000;
	[sflag:s28] =	ssyncset.done $0x0  }
0xfd: {  	s0 =	sadd.s32 $0xF00, s0;
	s31 =	sadd.s32 $0x1E00, s31;
	[sflag:s28] =	ssyncadd.s32 $0xFFFFB000  }
0xfe: {  	s0 =	simm.s32 $0x3D80  }
0xff: {  	[tilespmem:s17], [sflag:$0x1] =	stream.indirect.gather [hbm4b:s1+s16], $0x80, s0, s16, $0xb8;
	[tilespmem:$0x1E800] =	vst v63  }
0x100: {  	v3 =	vld [tilespmem:$0x7D80];
	_ =	sdelay $0x4  }
0x101: {  	v4 =	vshll.u32 v3, $0x1  }
0x102: {  	v3 =	vand.u32 $0x7, v3;
	v4 =	vand.u32 $0xFFFFFFF0, v4  }
0x103: {  	v3 =	vor.u32 v3, v4  }
0x104: {  	v4 =	vperm.xlane v3, v0;
	_ =	sdelay $0x1  }
0x105: {  	v3 =	vperm.xlane v3, v2;
	v4 =	vadd.s32 v1, v4;
	_ =	sdelay $0x1  }
0x106: {  	v3 =	vadd.s32 v1, v3;
	_ =	sdelay $0x2  }
0x107: {  	[tilespmem:s18], [sflag:$0x2] =	stream.indirect_vreg.gather [hbm4b:s4+s3], $0x80, v4, vm0, $0xb8;
	[tilespmem:$0x1E800] =	vst v63  }
0x108: {  	_ = 	snop  }
0x109: {  	[tilespmem:s6], [sflag:$0x2] =	stream.indirect_vreg.gather [hbm4b:s4+s3], $0x80, v3, vm0, $0xb8;
	[tilespmem:$0x1E800] =	vst v63  }
0x10a: {  	v3 =	vld [tilespmem:$0x7D90];
	_ =	sdelay $0x4  }
0x10b: {  	v55 =	vshll.u32 v3, $0x1  }
0x10c: {  	v3 =	vand.u32 $0x7, v3;
	v4 =	vand.u32 $0xFFFFFFF0, v55  }
0x10d: {  	v3 =	vor.u32 v3, v4  }
0x10e: {  	v4 =	vperm.xlane v3, v0;
	_ =	sdelay $0x1  }
0x10f: {  	v3 =	vperm.xlane v3, v2;
	v4 =	vadd.s32 v1, v4;
	_ =	sdelay $0x1  }
0x110: {  	v3 =	vadd.s32 v1, v3;
	_ =	sdelay $0x2  }
0x111: {  	[tilespmem:s7], [sflag:$0x2] =	stream.indirect_vreg.gather [hbm4b:s4+s3], $0x80, v4, vm0, $0xb8;
	[tilespmem:$0x1E800] =	vst v63  }
0x112: {  	_ = 	snop  }
0x113: {  	[tilespmem:s8], [sflag:$0x2] =	stream.indirect_vreg.gather [hbm4b:s4+s3], $0x80, v3, vm0, $0xb8;
	[tilespmem:$0x1E800] =	vst v63  }
0x114: {  	v3 =	vld [tilespmem:$0x7DA0];
	_ =	sdelay $0x4  }
0x115: {  	v56 =	vshll.u32 v3, $0x1  }
0x116: {  	v3 =	vand.u32 $0x7, v3;
	v4 =	vand.u32 $0xFFFFFFF0, v56  }
0x117: {  	v3 =	vor.u32 v3, v4  }
0x118: {  	v4 =	vperm.xlane v3, v0;
	_ =	sdelay $0x1  }
0x119: {  	v3 =	vperm.xlane v3, v2;
	v4 =	vadd.s32 v1, v4;
	_ =	sdelay $0x1  }
0x11a: {  	v3 =	vadd.s32 v1, v3;
	_ =	sdelay $0x2  }
0x11b: {  	[tilespmem:s9], [sflag:$0x2] =	stream.indirect_vreg.gather [hbm4b:s4+s3], $0x80, v4, vm0, $0xb8;
	[tilespmem:$0x1E800] =	vst v63  }
0x11c: {  	s2 =	simm.s32 $0xD000  }
0x11d: {  	[tilespmem:s2], [sflag:$0x2] =	stream.indirect_vreg.gather [hbm4b:s4+s3], $0x80, v3, vm0, $0xb8;
	[tilespmem:$0x1E800] =	vst v63  }
0x11e: {  	v3 =	vld [tilespmem:$0x7DB0];
	_ =	sdelay $0x4  }
0x11f: {  	v57 =	vshll.u32 v3, $0x1  }
0x120: {  	v3 =	vand.u32 $0x7, v3;
	v4 =	vand.u32 $0xFFFFFFF0, v57  }
0x121: {  	v3 =	vor.u32 v3, v4  }
0x122: {  	v4 =	vperm.xlane v3, v0;
	_ =	sdelay $0x1  }
0x123: {  	v3 =	vperm.xlane v3, v2;
	v4 =	vadd.s32 v1, v4;
	_ =	sdelay $0x1  }
0x124: {  	v3 =	vadd.s32 v1, v3;
	_ =	sdelay $0x1  }
0x125: {  	s5 =	simm.s32 $0xD800  }
0x126: {  	[tilespmem:s5], [sflag:$0x2] =	stream.indirect_vreg.gather [hbm4b:s4+s3], $0x80, v4, vm0, $0xb8;
	[tilespmem:$0x1E800] =	vst v63  }
0x127: {  	s15 =	simm.s32 $0xE000  }
0x128: {  	[tilespmem:s15], [sflag:$0x2] =	stream.indirect_vreg.gather [hbm4b:s4+s3], $0x80, v3, vm0, $0xb8;
	[tilespmem:$0x1E800] =	vst v63  }
0x129: {  	v3 =	vld [tilespmem:$0x7DC0];
	_ =	sdelay $0x4  }
0x12a: {  	v58 =	vshll.u32 v3, $0x1  }
0x12b: {  	v3 =	vand.u32 $0x7, v3;
	v4 =	vand.u32 $0xFFFFFFF0, v58  }
0x12c: {  	v3 =	vor.u32 v3, v4  }
0x12d: {  	v4 =	vperm.xlane v3, v0;
	_ =	sdelay $0x1  }
0x12e: {  	v3 =	vperm.xlane v3, v2;
	v4 =	vadd.s32 v1, v4;
	_ =	sdelay $0x1  }
0x12f: {  	v3 =	vadd.s32 v1, v3;
	_ =	sdelay $0x1  }
0x130: {  	s31 =	simm.s32 $0xE800  }
0x131: {  	[tilespmem:s31], [sflag:$0x2] =	stream.indirect_vreg.gather [hbm4b:s4+s3], $0x80, v4, vm0, $0xb8;
	[tilespmem:$0x1E800] =	vst v63  }
0x132: {  	s2 =	simm.s32 $0xF000  }
0x133: {  	[tilespmem:s2], [sflag:$0x2] =	stream.indirect_vreg.gather [hbm4b:s4+s3], $0x80, v3, vm0, $0xb8;
	[tilespmem:$0x1E800] =	vst v63  }
0x134: {  	s5 =	simm.s32 $0x3E00  }
0x135: {  	[tilespmem:s29], [sflag:$0x3] =	stream.indirect.gather [hbm4b:s1+s16], $0x80, s5, s16, $0xb8;
	[tilespmem:$0x1E800] =	vst v63  }
0x136: {  	v3 =	vld [tilespmem:$0x7E00];
	_ =	sdelay $0x4  }
0x137: {  	v59 =	vshll.u32 v3, $0x1  }
0x138: {  	v3 =	vand.u32 $0x7, v3;
	v4 =	vand.u32 $0xFFFFFFF0, v59  }
0x139: {  	v3 =	vor.u32 v3, v4  }
0x13a: {  	v4 =	vperm.xlane v3, v0;
	_ =	sdelay $0x1  }
0x13b: {  	v3 =	vperm.xlane v3, v2;
	v4 =	vadd.s32 v1, v4;
	_ =	sdelay $0x1  }
0x13c: {  	v3 =	vadd.s32 v1, v3;
	_ =	sdelay $0x2  }
0x13d: {  	[tilespmem:s30], [sflag:$0x4] =	stream.indirect_vreg.gather [hbm4b:s4+s3], $0x80, v4, vm0, $0xb8;
	[tilespmem:$0x1E800] =	vst v63  }
0x13e: {  	s15 =	simm.s32 $0x12800  }
0x13f: {  	[tilespmem:s15], [sflag:$0x4] =	stream.indirect_vreg.gather [hbm4b:s4+s3], $0x80, v3, vm0, $0xb8;
	[tilespmem:$0x1E800] =	vst v63  }
0x140: {  	v3 =	vld [tilespmem:$0x7E10];
	_ =	sdelay $0x4  }
0x141: {  	v60 =	vshll.u32 v3, $0x1  }
0x142: {  	v3 =	vand.u32 $0x7, v3;
	v4 =	vand.u32 $0xFFFFFFF0, v60  }
0x143: {  	v3 =	vor.u32 v3, v4  }
0x144: {  	v4 =	vperm.xlane v3, v0;
	_ =	sdelay $0x1  }
0x145: {  	v3 =	vperm.xlane v3, v2;
	v4 =	vadd.s32 v1, v4;
	_ =	sdelay $0x1  }
0x146: {  	v3 =	vadd.s32 v1, v3;
	_ =	sdelay $0x1  }
0x147: {  	s31 =	simm.s32 $0x13000  }
0x148: {  	[tilespmem:s31], [sflag:$0x4] =	stream.indirect_vreg.gather [hbm4b:s4+s3], $0x80, v4, vm0, $0xb8;
	[tilespmem:$0x1E800] =	vst v63  }
0x149: {  	s2 =	simm.s32 $0x13800  }
0x14a: {  	[tilespmem:s2], [sflag:$0x4] =	stream.indirect_vreg.gather [hbm4b:s4+s3], $0x80, v3, vm0, $0xb8;
	[tilespmem:$0x1E800] =	vst v63  }
0x14b: {  	v3 =	vld [tilespmem:$0x7E20];
	_ =	sdelay $0x4  }
0x14c: {  	v61 =	vshll.u32 v3, $0x1  }
0x14d: {  	v3 =	vand.u32 $0x7, v3;
	v4 =	vand.u32 $0xFFFFFFF0, v61  }
0x14e: {  	v3 =	vor.u32 v3, v4  }
0x14f: {  	v4 =	vperm.xlane v3, v0;
	_ =	sdelay $0x1  }
0x150: {  	v3 =	vperm.xlane v3, v2;
	v4 =	vadd.s32 v1, v4;
	_ =	sdelay $0x1  }
0x151: {  	v3 =	vadd.s32 v1, v3;
	_ =	sdelay $0x1  }
0x152: {  	s5 =	simm.s32 $0x14000  }
0x153: {  	[tilespmem:s5], [sflag:$0x4] =	stream.indirect_vreg.gather [hbm4b:s4+s3], $0x80, v4, vm0, $0xb8;
	[tilespmem:$0x1E800] =	vst v63  }
0x154: {  	s15 =	simm.s32 $0x14800  }
0x155: {  	[tilespmem:s15], [sflag:$0x4] =	stream.indirect_vreg.gather [hbm4b:s4+s3], $0x80, v3, vm0, $0xb8;
	[tilespmem:$0x1E800] =	vst v63  }
0x156: {  	v3 =	vld [tilespmem:$0x7E30];
	_ =	sdelay $0x4  }
0x157: {  	v62 =	vshll.u32 v3, $0x1  }
0x158: {  	v3 =	vand.u32 $0x7, v3;
	v4 =	vand.u32 $0xFFFFFFF0, v62  }
0x159: {  	v3 =	vor.u32 v3, v4  }
0x15a: {  	v4 =	vperm.xlane v3, v0;
	_ =	sdelay $0x1  }
0x15b: {  	v3 =	vperm.xlane v3, v2;
	v4 =	vadd.s32 v1, v4;
	_ =	sdelay $0x1  }
0x15c: {  	v3 =	vadd.s32 v1, v3;
	_ =	sdelay $0x1  }
0x15d: {  	s31 =	simm.s32 $0x15000  }
0x15e: {  	[tilespmem:s31], [sflag:$0x4] =	stream.indirect_vreg.gather [hbm4b:s4+s3], $0x80, v4, vm0, $0xb8;
	[tilespmem:$0x1E800] =	vst v63  }
0x15f: {  	s2 =	simm.s32 $0x15800  }
0x160: {  	[tilespmem:s2], [sflag:$0x4] =	stream.indirect_vreg.gather [hbm4b:s4+s3], $0x80, v3, vm0, $0xb8;
	[tilespmem:$0x1E800] =	vst v63  }
0x161: {  	v3 =	vld [tilespmem:$0x7E40];
	_ =	sdelay $0x4  }
0x162: {  	v63 =	vshll.u32 v3, $0x1  }
0x163: {  	v3 =	vand.u32 $0x7, v3;
	v4 =	vand.u32 $0xFFFFFFF0, v63  }
0x164: {  	v3 =	vor.u32 v3, v4  }
0x165: {  	v4 =	vperm.xlane v3, v0;
	_ =	sdelay $0x1  }
0x166: {  	v3 =	vperm.xlane v3, v2;
	v4 =	vadd.s32 v1, v4;
	_ =	sdelay $0x1  }
0x167: {  	v3 =	vadd.s32 v1, v3;
	_ =	sdelay $0x1  }
0x168: {  	s5 =	simm.s32 $0x16000  }
0x169: {  	[tilespmem:s5], [sflag:$0x4] =	stream.indirect_vreg.gather [hbm4b:s4+s3], $0x80, v4, vm0, $0xb8;
	[tilespmem:$0x1E800] =	vst v63  }
0x16a: {  	s15 =	simm.s32 $0x16800  }
0x16b: {  	[tilespmem:s15], [sflag:$0x4] =	stream.indirect_vreg.gather [hbm4b:s4+s3], $0x80, v3, vm0, $0xb8;
	[tilespmem:$0x1E800] =	vst v63  }
0x16c: {  	_ =	swait.ge [sflag:s12], $0x2800  }
0x16d: {  	[sflag:s12] =	ssyncset.done $0x0  }
0x16e: {  	[sflag:s12] =	ssyncadd.s32 $0xFFFFD800  }
0x16f: {  	_ =	swait.ge [sflag:s13], $0x5000  }
0x170: {  	[sflag:s13] =	ssyncset.done $0x0  }
0x171: {  	s31 =	rddreg [dreg:$0xe];
	[sflag:s13] =	ssyncadd.s32 $0xFFFFB000  }
0x172: {  	[hbm4b:s31+s3] =	stream.linear.scatter [tilespmem:s17], [sflag:$0x7], $0x2800, $0x38;
	[tilespmem:$0x1E800] =	vst v63  }
0x173: {  	s2 =	rddreg [dreg:$0xf]  }
0x174: {  	[hbm4b:s2+s3] =	stream.linear.scatter [tilespmem:s18], [sflag:$0x8], $0x5000, $0x38;
	[tilespmem:$0x1E800] =	vst v63  }
0x175: {  	_ =	swait.ge [sflag:s14], $0x2800  }
0x176: {  	[sflag:s14] =	ssyncset.done $0x0  }
0x177: {  	[sflag:s14] =	ssyncadd.s32 $0xFFFFD800  }
0x178: {  	_ =	swait.ge [sflag:s19], $0x5000  }
0x179: {  	[sflag:s19] =	ssyncset.done $0x0  }
0x17a: {  	s2 =	simm.s32 $0xD;
	s5 =	rddreg [dreg:$0x10];
	[sflag:s19] =	ssyncadd.s32 $0xFFFFB000  }
0x17b: {  	[hbm4b:s5+s3] =	stream.linear.scatter [tilespmem:s29], [sflag:$0xD], $0x2800, $0x38;
	[tilespmem:$0x1E800] =	vst v63  }
0x17c: {  	_ =	swait.ge [sflag:s2], $0x2800  }
0x17d: {  	[sflag:s2] =	ssyncset.done $0x0  }
0x17e: {  	s15 =	rddreg [dreg:$0x11];
	[sflag:s2] =	ssyncadd.s32 $0xFFFFD800  }
0x17f: {  	[hbm4b:s15+s3] =	stream.linear.scatter [tilespmem:s30], [sflag:$0xD], $0x5000, $0x38;
	[tilespmem:$0x1E800] =	vst v63  }
0x180: {  	_ =	swait.ge [sflag:s2], $0x5000  }
0x181: {  	[sflag:s2] =	ssyncset.done $0x0  }
0x182: {  	[sflag:s2] =	ssyncadd.s32 $0xFFFFB000  }
0x183: {  	_ =	swait.ge [sflag:s22], $0x2800  }
0x184: {  	[sflag:s22] =	ssyncset.done $0x0  }
0x185: {  	[sflag:s22] =	ssyncadd.s32 $0xFFFFD800  }
0x186: {  	_ =	swait.ge [sflag:s23], $0x5000  }
0x187: {  	s5 =	rddreg [dreg:$0x15]  }
0x188: {  	s31 =	rddreg [dreg:$0x12];
	s5 =	sadd.s32 $0x1, s5  }
0x189: {  	p0 =	sne.s32 s5, s31  }
.Ltmp1:
0x18a: {  	_ = 	snop;
	(pc) =	sbr.rel @p0 .LBB2_1-.Ltmp1, $3  }
0x18b: {  	_ =	sdelay $0x1  }
0x18c: {  	[sflag:s23] =	ssyncset.done $0x0  }
0x18d: {  	[sflag:s23] =	ssyncadd.s32 $0xFFFFB000  }
0x18e: {  	_ =	sfence.sel $0x180000  }
0x18f: {  	[bflag:$0x0] =	sbarrier.arrive $0xFFFF  }
0x190: {  	_ =	strace $0x90000047  }
0x191: {  	s0 =	stileid.u32;
	[bflag:$0x2] =	sbarrier.arrive $0xFFFF  }
0x192: {  	p0 =	sne.s32 s0, $0x0;
	s0 =	rddreg [dreg:$0x2]  }
0x193: {  	s0 =	sadd.s32 @!p0 $0x100000, s0  }
0x194: {  	[sflag:s0] =	ssyncadd.tile.s32 @!p0 $0x1;
	_ =	shalt  }
.Lfunc_end2:
_tile_overlayer_lowered:
.L_overlay_start_2:
0x195: {  	(tag) =	ssettag $0x2  }
0x196: {  	s0 =	rddreg [dreg:$0x0];
	s2 =	stileid.u32  }
0x197: {  	s1 =	rddreg [dreg:$0x1];
	p0 =	sne.s32 s2, $0x0  }
0x198: {  	s3 =	rddreg [dreg:$0x2];
	[bflag:$0x3] =	sbarrier.arrive $0xFFFF;
	s2 =	simm.s32 @!p0 $0x1C0D  }
0x199: {  	[timem:s3], [sflag:s2] =	dma.local @!p0 [hbm:s0], s1  }
0x19a: {  	s0 =	simm.s32 @!p0 $0xD  }
0x19b: {  	_ =	swait.ge @!p0 [sflag:s0], s1  }
0x19c: {  	s1 =	ssub.s32 @!p0 $0x0, s1;
	[sflag:s0] =	ssyncset.done @!p0 $0x0  }
0x19d: {  	[sflag:s0] =	ssyncadd.s32 @!p0 s1  }
0x19e: {  	[bflag:$0x3] =	sbarrier.arrive $0xFFFF  }
0x19f: {  	_ =	shalt  }

</sc_bundles>
